<compile_context>
chip_gen: v7x
topology: tpu7x:2x2x1
jax: 0.10.2.dev20260603
libtpu: 0.0.44.dev20260713+nightly
codegen_flags: <defaults>
</compile_context>

<pallas_src>
import functools

import jax
import jax.numpy as jnp
from jax import lax
from jax.experimental import pallas as pl
from jax.experimental.pallas import tpu as pltpu
from jax.experimental.pallas import tpu_sc as plsc

_CHUNK = 16
_NBUF = 7


def _emb_body(idx_hbm, table_hbm, out_hbm, idx_v, *scratch,
              num_cores, per_w, chunk, n_chunks, nbuf):
    bufs = scratch[:nbuf]
    gsems = scratch[nbuf:2 * nbuf]
    osems = scratch[2 * nbuf:3 * nbuf]

    wid = lax.axis_index("s") * num_cores + lax.axis_index("c")
    base = wid * per_w
    pltpu.sync_copy(idx_hbm.at[pl.ds(base, per_w)], idx_v)

    def gather(i):
        b = i % nbuf
        return pltpu.async_copy(
            table_hbm.at[idx_v.at[pl.ds(i * chunk, chunk)]], bufs[b], gsems[b]
        )

    def copy_out(i):
        b = i % nbuf
        return pltpu.async_copy(
            bufs[b], out_hbm.at[pl.ds(base + i * chunk, chunk)], osems[b]
        )

    lead = 4
    g_copies = [None] * n_chunks
    o_copies = [None] * n_chunks
    for i in range(n_chunks + lead):
        if i < n_chunks:
            if i >= nbuf:
                o_copies[i - nbuf].wait()
            g_copies[i] = gather(i)
        j = i - lead
        if 0 <= j < n_chunks:
            g_copies[j].wait()
            o_copies[j] = copy_out(j)
    for j in range(max(0, n_chunks - nbuf), n_chunks):
        o_copies[j].wait()


def kernel(input_ids, embed_table):
    B, S = input_ids.shape
    V, D = embed_table.shape
    N = B * S
    flat_ids = input_ids.reshape(N).astype(jnp.int32)

    info = plsc.get_sparse_core_info()
    num_workers = info.num_cores * info.num_subcores
    per_w = N // num_workers
    n_chunks = per_w // _CHUNK

    mesh = plsc.VectorSubcoreMesh(core_axis_name="c", subcore_axis_name="s")

    scratch = (
        [pltpu.VMEM((per_w,), jnp.int32)]
        + [pltpu.VMEM((_CHUNK, D), jnp.float32) for _ in range(_NBUF)]
        + [pltpu.SemaphoreType.DMA for _ in range(2 * _NBUF)]
    )

    grid_kernel = pl.kernel(
        functools.partial(
            _emb_body,
            num_cores=info.num_cores,
            per_w=per_w,
            chunk=_CHUNK,
            n_chunks=n_chunks,
            nbuf=_NBUF,
        ),
        mesh=mesh,
        out_type=jax.ShapeDtypeStruct((N, D), jnp.float32),
        scratch_types=scratch,
    )

    out = grid_kernel(flat_ids, embed_table)
    return out.reshape(B, S, D)

# --- scband reference (transcript-rebuilt; emitter-appended) ---
"""Pipeline reference for scband-frozen-embedding-35811437314641 (READ-ONLY COPY).

The authoritative reference and input builder live on the scoring server;
editing this copy changes nothing except your own understanding.
"""

import jax, jax.numpy as jnp
import numpy as np

VOCAB = 151936
HIDDEN = 1024
BATCH = 4
SEQ = 4096

def setup_inputs(seed: int = 0) -> dict:
    key = jax.random.key(seed)
    k_ids, k_w = jax.random.split(key)
    input_ids = jax.random.randint(k_ids, (BATCH, SEQ), 0, VOCAB, dtype=jnp.int64 if jax.config.jax_enable_x64 else jnp.int32)
    embed_table = jax.random.normal(k_w, (VOCAB, HIDDEN), dtype=jnp.float32) * 0.02
    return {"input_ids": input_ids, "embed_table": embed_table}

def reference(input_ids, embed_table):
    # FrozenEmbedding.forward: simple embedding lookup over the frozen Qwen3 table
    return jnp.take(embed_table, input_ids, axis=0)

if __name__ == "__main__":
    import jax
    _d = setup_inputs()
    print(jax.jit(kernel)(*tuple(_d.values())))

</pallas_src>

<mosaic_0001>
#map = affine_map<(d0, d1) -> (0)>
#map1 = affine_map<(d0, d1) -> (0, 0)>
module attributes {stable_mosaic.version = 14 : i64} {
  func.func @_emb_body(%arg0: i32, %arg1: i32, %arg2: memref<16384xi32, #tpu.memory_space<hbm>>, %arg3: memref<151936x1024xf32, #tpu.memory_space<hbm>>, %arg4: memref<16384x1024xf32, #tpu.memory_space<hbm>>, %arg5: memref<512xi32, #tpu.memory_space<vmem>>, %arg6: memref<16x1024xf32, #tpu.memory_space<vmem>>, %arg7: memref<16x1024xf32, #tpu.memory_space<vmem>>, %arg8: memref<16x1024xf32, #tpu.memory_space<vmem>>, %arg9: memref<16x1024xf32, #tpu.memory_space<vmem>>, %arg10: memref<16x1024xf32, #tpu.memory_space<vmem>>, %arg11: memref<16x1024xf32, #tpu.memory_space<vmem>>, %arg12: memref<16x1024xf32, #tpu.memory_space<vmem>>, %arg13: memref<!tpu.dma_semaphore, #tpu.memory_space<semaphore_mem>>, %arg14: memref<!tpu.dma_semaphore, #tpu.memory_space<semaphore_mem>>, %arg15: memref<!tpu.dma_semaphore, #tpu.memory_space<semaphore_mem>>, %arg16: memref<!tpu.dma_semaphore, #tpu.memory_space<semaphore_mem>>, %arg17: memref<!tpu.dma_semaphore, #tpu.memory_space<semaphore_mem>>, %arg18: memref<!tpu.dma_semaphore, #tpu.memory_space<semaphore_mem>>, %arg19: memref<!tpu.dma_semaphore, #tpu.memory_space<semaphore_mem>>, %arg20: memref<!tpu.dma_semaphore, #tpu.memory_space<semaphore_mem>>, %arg21: memref<!tpu.dma_semaphore, #tpu.memory_space<semaphore_mem>>, %arg22: memref<!tpu.dma_semaphore, #tpu.memory_space<semaphore_mem>>, %arg23: memref<!tpu.dma_semaphore, #tpu.memory_space<semaphore_mem>>, %arg24: memref<!tpu.dma_semaphore, #tpu.memory_space<semaphore_mem>>, %arg25: memref<!tpu.dma_semaphore, #tpu.memory_space<semaphore_mem>>, %arg26: memref<!tpu.dma_semaphore, #tpu.memory_space<semaphore_mem>>) attributes {dimension_semantics = [#tpu.dimension_semantics<core_parallel>, #tpu.dimension_semantics<subcore_parallel>], iteration_bounds = array<i64: 2, 16>, scalar_prefetch = 0 : i64, scratch_operands = 22 : i64, tpu.core_type = #tpu.core_type<sc_vector_subcore>, window_params = [{transform_indices = #map}, {transform_indices = #map1}, {transform_indices = #map1}]} {
    %mul3A = arith.constant 2 : i32
    %mul3A_0 = arith.muli %arg1, %mul3A : i32
    %add3A = arith.addi %mul3A_0, %arg0 : i32
    %mul3A_1 = arith.constant 512 : i32
    %mul3A_2 = arith.muli %add3A, %mul3A_1 : i32
    "tpu.region"() ({
      %run_scoped3A = tpu.sem_alloc : memref<!tpu.dma_semaphore, #tpu.memory_space<semaphore_mem>>
      %dma_start3A_641 = tpu.memref_slice %arg2[%mul3A_2] : memref<16384xi32, #tpu.memory_space<hbm>> -> memref<512xi32, #tpu.memory_space<hbm>>
      %dma_start3A_642 = tpu.memref_slice %arg2[%mul3A_2] : memref<16384xi32, #tpu.memory_space<hbm>> -> memref<512xi32, #tpu.memory_space<hbm>>
      tpu.enqueue_dma source(%dma_start3A_642 : memref<512xi32, #tpu.memory_space<hbm>>) target(%arg5 : memref<512xi32, #tpu.memory_space<vmem>>) target_semaphore(%run_scoped3A : memref<!tpu.dma_semaphore, #tpu.memory_space<semaphore_mem>>)
      %dma_wait3A_643 = tpu.memref_slice %arg2[%mul3A_2] : memref<16384xi32, #tpu.memory_space<hbm>> -> memref<512xi32, #tpu.memory_space<hbm>>
      %dma_wait3A_644 = tpu.memref_slice %arg2[%mul3A_2] : memref<16384xi32, #tpu.memory_space<hbm>> -> memref<512xi32, #tpu.memory_space<hbm>>
      tpu.wait_dma2 semaphore(%run_scoped3A : memref<!tpu.dma_semaphore, #tpu.memory_space<semaphore_mem>>) src(%dma_wait3A_644 : memref<512xi32, #tpu.memory_space<hbm>>) dst(%arg5 : memref<512xi32, #tpu.memory_space<vmem>>)
      tpu.yield
    }) : () -> ()
    %dma_start3A = arith.constant 0 : i32
    %dma_start3A_3 = tpu.memref_slice %arg5[%dma_start3A] : memref<512xi32, #tpu.memory_space<vmem>> -> memref<16xi32, #tpu.memory_space<vmem>>
    %dma_start3A_4 = arith.constant 0 : i32
    %dma_start3A_5 = arith.constant 0 : i32
    %dma_start3A_6 = tpu.memref_slice %arg3[%dma_start3A_4, %dma_start3A_5] : memref<151936x1024xf32, #tpu.memory_space<hbm>> -> memref<151936x1024xf32, #tpu.memory_space<hbm>>
    tpu.enqueue_indirect_dma source(%dma_start3A_6 : memref<151936x1024xf32, #tpu.memory_space<hbm>>) target(%arg6 : memref<16x1024xf32, #tpu.memory_space<vmem>>) offsets(%dma_start3A_3 : memref<16xi32, #tpu.memory_space<vmem>>) semaphore(%arg13 : memref<!tpu.dma_semaphore, #tpu.memory_space<semaphore_mem>>)
    %dma_start3A_7 = arith.constant 16 : i32
    %dma_start3A_8 = tpu.memref_slice %arg5[%dma_start3A_7] : memref<512xi32, #tpu.memory_space<vmem>> -> memref<16xi32, #tpu.memory_space<vmem>>
    %dma_start3A_9 = arith.constant 0 : i32
    %dma_start3A_10 = arith.constant 0 : i32
    %dma_start3A_11 = tpu.memref_slice %arg3[%dma_start3A_9, %dma_start3A_10] : memref<151936x1024xf32, #tpu.memory_space<hbm>> -> memref<151936x1024xf32, #tpu.memory_space<hbm>>
    tpu.enqueue_indirect_dma source(%dma_start3A_11 : memref<151936x1024xf32, #tpu.memory_space<hbm>>) target(%arg7 : memref<16x1024xf32, #tpu.memory_space<vmem>>) offsets(%dma_start3A_8 : memref<16xi32, #tpu.memory_space<vmem>>) semaphore(%arg14 : memref<!tpu.dma_semaphore, #tpu.memory_space<semaphore_mem>>)
    %dma_start3A_12 = arith.constant 32 : i32
    %dma_start3A_13 = tpu.memref_slice %arg5[%dma_start3A_12] : memref<512xi32, #tpu.memory_space<vmem>> -> memref<16xi32, #tpu.memory_space<vmem>>
    %dma_start3A_14 = arith.constant 0 : i32
    %dma_start3A_15 = arith.constant 0 : i32
    %dma_start3A_16 = tpu.memref_slice %arg3[%dma_start3A_14, %dma_start3A_15] : memref<151936x1024xf32, #tpu.memory_space<hbm>> -> memref<151936x1024xf32, #tpu.memory_space<hbm>>
    tpu.enqueue_indirect_dma source(%dma_start3A_16 : memref<151936x1024xf32, #tpu.memory_space<hbm>>) target(%arg8 : memref<16x1024xf32, #tpu.memory_space<vmem>>) offsets(%dma_start3A_13 : memref<16xi32, #tpu.memory_space<vmem>>) semaphore(%arg15 : memref<!tpu.dma_semaphore, #tpu.memory_space<semaphore_mem>>)
    %dma_start3A_17 = arith.constant 48 : i32
    %dma_start3A_18 = tpu.memref_slice %arg5[%dma_start3A_17] : memref<512xi32, #tpu.memory_space<vmem>> -> memref<16xi32, #tpu.memory_space<vmem>>
    %dma_start3A_19 = arith.constant 0 : i32
    %dma_start3A_20 = arith.constant 0 : i32
    %dma_start3A_21 = tpu.memref_slice %arg3[%dma_start3A_19, %dma_start3A_20] : memref<151936x1024xf32, #tpu.memory_space<hbm>> -> memref<151936x1024xf32, #tpu.memory_space<hbm>>
    tpu.enqueue_indirect_dma source(%dma_start3A_21 : memref<151936x1024xf32, #tpu.memory_space<hbm>>) target(%arg9 : memref<16x1024xf32, #tpu.memory_space<vmem>>) offsets(%dma_start3A_18 : memref<16xi32, #tpu.memory_space<vmem>>) semaphore(%arg16 : memref<!tpu.dma_semaphore, #tpu.memory_space<semaphore_mem>>)
    %dma_start3A_22 = arith.constant 64 : i32
    %dma_start3A_23 = tpu.memref_slice %arg5[%dma_start3A_22] : memref<512xi32, #tpu.memory_space<vmem>> -> memref<16xi32, #tpu.memory_space<vmem>>
    %dma_start3A_24 = arith.constant 0 : i32
    %dma_start3A_25 = arith.constant 0 : i32
    %dma_start3A_26 = tpu.memref_slice %arg3[%dma_start3A_24, %dma_start3A_25] : memref<151936x1024xf32, #tpu.memory_space<hbm>> -> memref<151936x1024xf32, #tpu.memory_space<hbm>>
    tpu.enqueue_indirect_dma source(%dma_start3A_26 : memref<151936x1024xf32, #tpu.memory_space<hbm>>) target(%arg10 : memref<16x1024xf32, #tpu.memory_space<vmem>>) offsets(%dma_start3A_23 : memref<16xi32, #tpu.memory_space<vmem>>) semaphore(%arg17 : memref<!tpu.dma_semaphore, #tpu.memory_space<semaphore_mem>>)
    %dma_wait3A = arith.constant 0 : i32
    %dma_wait3A_27 = tpu.memref_slice %arg5[%dma_wait3A] : memref<512xi32, #tpu.memory_space<vmem>> -> memref<16xi32, #tpu.memory_space<vmem>>
    %dma_wait3A_28 = arith.constant 0 : i32
    %dma_wait3A_29 = arith.constant 0 : i32
    %dma_wait3A_30 = tpu.memref_slice %arg3[%dma_wait3A_28, %dma_wait3A_29] : memref<151936x1024xf32, #tpu.memory_space<hbm>> -> memref<151936x1024xf32, #tpu.memory_space<hbm>>
    tpu.wait_indirect_dma semaphore(%arg13 : memref<!tpu.dma_semaphore, #tpu.memory_space<semaphore_mem>>) src(%dma_wait3A_30 : memref<151936x1024xf32, #tpu.memory_space<hbm>>) dst(%arg6 : memref<16x1024xf32, #tpu.memory_space<vmem>>)
    %add3A_31 = arith.constant 0 : i32
    %add3A_32 = arith.addi %mul3A_2, %add3A_31 : i32
    %dma_start3A_33 = arith.constant 0 : i32
    %dma_start3A_34 = tpu.memref_slice %arg4[%add3A_32, %dma_start3A_33] : memref<16384x1024xf32, #tpu.memory_space<hbm>> -> memref<16x1024xf32, #tpu.memory_space<hbm>>
    %dma_start3A_35 = arith.constant 0 : i32
    %dma_start3A_36 = tpu.memref_slice %arg4[%add3A_32, %dma_start3A_35] : memref<16384x1024xf32, #tpu.memory_space<hbm>> -> memref<16x1024xf32, #tpu.memory_space<hbm>>
    tpu.enqueue_dma source(%arg6 : memref<16x1024xf32, #tpu.memory_space<vmem>>) target(%dma_start3A_36 : memref<16x1024xf32, #tpu.memory_space<hbm>>) target_semaphore(%arg20 : memref<!tpu.dma_semaphore, #tpu.memory_space<semaphore_mem>>)
    %dma_start3A_37 = arith.constant 80 : i32
    %dma_start3A_38 = tpu.memref_slice %arg5[%dma_start3A_37] : memref<512xi32, #tpu.memory_space<vmem>> -> memref<16xi32, #tpu.memory_space<vmem>>
    %dma_start3A_39 = arith.constant 0 : i32
    %dma_start3A_40 = arith.constant 0 : i32
    %dma_start3A_41 = tpu.memref_slice %arg3[%dma_start3A_39, %dma_start3A_40] : memref<151936x1024xf32, #tpu.memory_space<hbm>> -> memref<151936x1024xf32, #tpu.memory_space<hbm>>
    tpu.enqueue_indirect_dma source(%dma_start3A_41 : memref<151936x1024xf32, #tpu.memory_space<hbm>>) target(%arg11 : memref<16x1024xf32, #tpu.memory_space<vmem>>) offsets(%dma_start3A_38 : memref<16xi32, #tpu.memory_space<vmem>>) semaphore(%arg18 : memref<!tpu.dma_semaphore, #tpu.memory_space<semaphore_mem>>)
    %dma_wait3A_42 = arith.constant 16 : i32
    %dma_wait3A_43 = tpu.memref_slice %arg5[%dma_wait3A_42] : memref<512xi32, #tpu.memory_space<vmem>> -> memref<16xi32, #tpu.memory_space<vmem>>
    %dma_wait3A_44 = arith.constant 0 : i32
    %dma_wait3A_45 = arith.constant 0 : i32
    %dma_wait3A_46 = tpu.memref_slice %arg3[%dma_wait3A_44, %dma_wait3A_45] : memref<151936x1024xf32, #tpu.memory_space<hbm>> -> memref<151936x1024xf32, #tpu.memory_space<hbm>>
    tpu.wait_indirect_dma semaphore(%arg14 : memref<!tpu.dma_semaphore, #tpu.memory_space<semaphore_mem>>) src(%dma_wait3A_46 : memref<151936x1024xf32, #tpu.memory_space<hbm>>) dst(%arg7 : memref<16x1024xf32, #tpu.memory_space<vmem>>)
    %add3A_47 = arith.constant 16 : i32
    %add3A_48 = arith.addi %mul3A_2, %add3A_47 : i32
    %dma_start3A_49 = arith.constant 0 : i32
    %dma_start3A_50 = tpu.memref_slice %arg4[%add3A_48, %dma_start3A_49] : memref<16384x1024xf32, #tpu.memory_space<hbm>> -> memref<16x1024xf32, #tpu.memory_space<hbm>>
    %dma_start3A_51 = arith.constant 0 : i32
    %dma_start3A_52 = tpu.memref_slice %arg4[%add3A_48, %dma_start3A_51] : memref<16384x1024xf32, #tpu.memory_space<hbm>> -> memref<16x1024xf32, #tpu.memory_space<hbm>>
    tpu.enqueue_dma source(%arg7 : memref<16x1024xf32, #tpu.memory_space<vmem>>) target(%dma_start3A_52 : memref<16x1024xf32, #tpu.memory_space<hbm>>) target_semaphore(%arg21 : memref<!tpu.dma_semaphore, #tpu.memory_space<semaphore_mem>>)
    %dma_start3A_53 = arith.constant 96 : i32
    %dma_start3A_54 = tpu.memref_slice %arg5[%dma_start3A_53] : memref<512xi32, #tpu.memory_space<vmem>> -> memref<16xi32, #tpu.memory_space<vmem>>
    %dma_start3A_55 = arith.constant 0 : i32
    %dma_start3A_56 = arith.constant 0 : i32
    %dma_start3A_57 = tpu.memref_slice %arg3[%dma_start3A_55, %dma_start3A_56] : memref<151936x1024xf32, #tpu.memory_space<hbm>> -> memref<151936x1024xf32, #tpu.memory_space<hbm>>
    tpu.enqueue_indirect_dma source(%dma_start3A_57 : memref<151936x1024xf32, #tpu.memory_space<hbm>>) target(%arg12 : memref<16x1024xf32, #tpu.memory_space<vmem>>) offsets(%dma_start3A_54 : memref<16xi32, #tpu.memory_space<vmem>>) semaphore(%arg19 : memref<!tpu.dma_semaphore, #tpu.memory_space<semaphore_mem>>)
    %dma_wait3A_58 = arith.constant 32 : i32
    %dma_wait3A_59 = tpu.memref_slice %arg5[%dma_wait3A_58] : memref<512xi32, #tpu.memory_space<vmem>> -> memref<16xi32, #tpu.memory_space<vmem>>
    %dma_wait3A_60 = arith.constant 0 : i32
    %dma_wait3A_61 = arith.constant 0 : i32
    %dma_wait3A_62 = tpu.memref_slice %arg3[%dma_wait3A_60, %dma_wait3A_61] : memref<151936x1024xf32, #tpu.memory_space<hbm>> -> memref<151936x1024xf32, #tpu.memory_space<hbm>>
    tpu.wait_indirect_dma semaphore(%arg15 : memref<!tpu.dma_semaphore, #tpu.memory_space<semaphore_mem>>) src(%dma_wait3A_62 : memref<151936x1024xf32, #tpu.memory_space<hbm>>) dst(%arg8 : memref<16x1024xf32, #tpu.memory_space<vmem>>)
    %add3A_63 = arith.constant 32 : i32
    %add3A_64 = arith.addi %mul3A_2, %add3A_63 : i32
    %dma_start3A_65 = arith.constant 0 : i32
    %dma_start3A_66 = tpu.memref_slice %arg4[%add3A_64, %dma_start3A_65] : memref<16384x1024xf32, #tpu.memory_space<hbm>> -> memref<16x1024xf32, #tpu.memory_space<hbm>>
    %dma_start3A_67 = arith.constant 0 : i32
    %dma_start3A_68 = tpu.memref_slice %arg4[%add3A_64, %dma_start3A_67] : memref<16384x1024xf32, #tpu.memory_space<hbm>> -> memref<16x1024xf32, #tpu.memory_space<hbm>>
    tpu.enqueue_dma source(%arg8 : memref<16x1024xf32, #tpu.memory_space<vmem>>) target(%dma_start3A_68 : memref<16x1024xf32, #tpu.memory_space<hbm>>) target_semaphore(%arg22 : memref<!tpu.dma_semaphore, #tpu.memory_space<semaphore_mem>>)
    %dma_wait3A_69 = arith.constant 0 : i32
    %dma_wait3A_70 = tpu.memref_slice %arg4[%add3A_32, %dma_wait3A_69] : memref<16384x1024xf32, #tpu.memory_space<hbm>> -> memref<16x1024xf32, #tpu.memory_space<hbm>>
    %dma_wait3A_71 = arith.constant 0 : i32
    %dma_wait3A_72 = tpu.memref_slice %arg4[%add3A_32, %dma_wait3A_71] : memref<16384x1024xf32, #tpu.memory_space<hbm>> -> memref<16x1024xf32, #tpu.memory_space<hbm>>
    tpu.wait_dma2 semaphore(%arg20 : memref<!tpu.dma_semaphore, #tpu.memory_space<semaphore_mem>>) src(%arg6 : memref<16x1024xf32, #tpu.memory_space<vmem>>) dst(%dma_wait3A_72 : memref<16x1024xf32, #tpu.memory_space<hbm>>)
    %dma_start3A_73 = arith.constant 112 : i32
    %dma_start3A_74 = tpu.memref_slice %arg5[%dma_start3A_73] : memref<512xi32, #tpu.memory_space<vmem>> -> memref<16xi32, #tpu.memory_space<vmem>>
    %dma_start3A_75 = arith.constant 0 : i32
    %dma_start3A_76 = arith.constant 0 : i32
    %dma_start3A_77 = tpu.memref_slice %arg3[%dma_start3A_75, %dma_start3A_76] : memref<151936x1024xf32, #tpu.memory_space<hbm>> -> memref<151936x1024xf32, #tpu.memory_space<hbm>>
    tpu.enqueue_indirect_dma source(%dma_start3A_77 : memref<151936x1024xf32, #tpu.memory_space<hbm>>) target(%arg6 : memref<16x1024xf32, #tpu.memory_space<vmem>>) offsets(%dma_start3A_74 : memref<16xi32, #tpu.memory_space<vmem>>) semaphore(%arg13 : memref<!tpu.dma_semaphore, #tpu.memory_space<semaphore_mem>>)
    %dma_wait3A_78 = arith.constant 48 : i32
    %dma_wait3A_79 = tpu.memref_slice %arg5[%dma_wait3A_78] : memref<512xi32, #tpu.memory_space<vmem>> -> memref<16xi32, #tpu.memory_space<vmem>>
    %dma_wait3A_80 = arith.constant 0 : i32
    %dma_wait3A_81 = arith.constant 0 : i32
    %dma_wait3A_82 = tpu.memref_slice %arg3[%dma_wait3A_80, %dma_wait3A_81] : memref<151936x1024xf32, #tpu.memory_space<hbm>> -> memref<151936x1024xf32, #tpu.memory_space<hbm>>
    tpu.wait_indirect_dma semaphore(%arg16 : memref<!tpu.dma_semaphore, #tpu.memory_space<semaphore_mem>>) src(%dma_wait3A_82 : memref<151936x1024xf32, #tpu.memory_space<hbm>>) dst(%arg9 : memref<16x1024xf32, #tpu.memory_space<vmem>>)
    %add3A_83 = arith.constant 48 : i32
    %add3A_84 = arith.addi %mul3A_2, %add3A_83 : i32
    %dma_start3A_85 = arith.constant 0 : i32
    %dma_start3A_86 = tpu.memref_slice %arg4[%add3A_84, %dma_start3A_85] : memref<16384x1024xf32, #tpu.memory_space<hbm>> -> memref<16x1024xf32, #tpu.memory_space<hbm>>
    %dma_start3A_87 = arith.constant 0 : i32
    %dma_start3A_88 = tpu.memref_slice %arg4[%add3A_84, %dma_start3A_87] : memref<16384x1024xf32, #tpu.memory_space<hbm>> -> memref<16x1024xf32, #tpu.memory_space<hbm>>
    tpu.enqueue_dma source(%arg9 : memref<16x1024xf32, #tpu.memory_space<vmem>>) target(%dma_start3A_88 : memref<16x1024xf32, #tpu.memory_space<hbm>>) target_semaphore(%arg23 : memref<!tpu.dma_semaphore, #tpu.memory_space<semaphore_mem>>)
    %dma_wait3A_89 = arith.constant 0 : i32
    %dma_wait3A_90 = tpu.memref_slice %arg4[%add3A_48, %dma_wait3A_89] : memref<16384x1024xf32, #tpu.memory_space<hbm>> -> memref<16x1024xf32, #tpu.memory_space<hbm>>
    %dma_wait3A_91 = arith.constant 0 : i32
    %dma_wait3A_92 = tpu.memref_slice %arg4[%add3A_48, %dma_wait3A_91] : memref<16384x1024xf32, #tpu.memory_space<hbm>> -> memref<16x1024xf32, #tpu.memory_space<hbm>>
    tpu.wait_dma2 semaphore(%arg21 : memref<!tpu.dma_semaphore, #tpu.memory_space<semaphore_mem>>) src(%arg7 : memref<16x1024xf32, #tpu.memory_space<vmem>>) dst(%dma_wait3A_92 : memref<16x1024xf32, #tpu.memory_space<hbm>>)
    %dma_start3A_93 = arith.constant 128 : i32
    %dma_start3A_94 = tpu.memref_slice %arg5[%dma_start3A_93] : memref<512xi32, #tpu.memory_space<vmem>> -> memref<16xi32, #tpu.memory_space<vmem>>
    %dma_start3A_95 = arith.constant 0 : i32
    %dma_start3A_96 = arith.constant 0 : i32
    %dma_start3A_97 = tpu.memref_slice %arg3[%dma_start3A_95, %dma_start3A_96] : memref<151936x1024xf32, #tpu.memory_space<hbm>> -> memref<151936x1024xf32, #tpu.memory_space<hbm>>
    tpu.enqueue_indirect_dma source(%dma_start3A_97 : memref<151936x1024xf32, #tpu.memory_space<hbm>>) target(%arg7 : memref<16x1024xf32, #tpu.memory_space<vmem>>) offsets(%dma_start3A_94 : memref<16xi32, #tpu.memory_space<vmem>>) semaphore(%arg14 : memref<!tpu.dma_semaphore, #tpu.memory_space<semaphore_mem>>)
    %dma_wait3A_98 = arith.constant 64 : i32
    %dma_wait3A_99 = tpu.memref_slice %arg5[%dma_wait3A_98] : memref<512xi32, #tpu.memory_space<vmem>> -> memref<16xi32, #tpu.memory_space<vmem>>
    %dma_wait3A_100 = arith.constant 0 : i32
    %dma_wait3A_101 = arith.constant 0 : i32
    %dma_wait3A_102 = tpu.memref_slice %arg3[%dma_wait3A_100, %dma_wait3A_101] : memref<151936x1024xf32, #tpu.memory_space<hbm>> -> memref<151936x1024xf32, #tpu.memory_space<hbm>>
    tpu.wait_indirect_dma semaphore(%arg17 : memref<!tpu.dma_semaphore, #tpu.memory_space<semaphore_mem>>) src(%dma_wait3A_102 : memref<151936x1024xf32, #tpu.memory_space<hbm>>) dst(%arg10 : memref<16x1024xf32, #tpu.memory_space<vmem>>)
    %add3A_103 = arith.constant 64 : i32
    %add3A_104 = arith.addi %mul3A_2, %add3A_103 : i32
    %dma_start3A_105 = arith.constant 0 : i32
    %dma_start3A_106 = tpu.memref_slice %arg4[%add3A_104, %dma_start3A_105] : memref<16384x1024xf32, #tpu.memory_space<hbm>> -> memref<16x1024xf32, #tpu.memory_space<hbm>>
    %dma_start3A_107 = arith.constant 0 : i32
    %dma_start3A_108 = tpu.memref_slice %arg4[%add3A_104, %dma_start3A_107] : memref<16384x1024xf32, #tpu.memory_space<hbm>> -> memref<16x1024xf32, #tpu.memory_space<hbm>>
    tpu.enqueue_dma source(%arg10 : memref<16x1024xf32, #tpu.memory_space<vmem>>) target(%dma_start3A_108 : memref<16x1024xf32, #tpu.memory_space<hbm>>) target_semaphore(%arg24 : memref<!tpu.dma_semaphore, #tpu.memory_space<semaphore_mem>>)
    %dma_wait3A_109 = arith.constant 0 : i32
    %dma_wait3A_110 = tpu.memref_slice %arg4[%add3A_64, %dma_wait3A_109] : memref<16384x1024xf32, #tpu.memory_space<hbm>> -> memref<16x1024xf32, #tpu.memory_space<hbm>>
    %dma_wait3A_111 = arith.constant 0 : i32
    %dma_wait3A_112 = tpu.memref_slice %arg4[%add3A_64, %dma_wait3A_111] : memref<16384x1024xf32, #tpu.memory_space<hbm>> -> memref<16x1024xf32, #tpu.memory_space<hbm>>
    tpu.wait_dma2 semaphore(%arg22 : memref<!tpu.dma_semaphore, #tpu.memory_space<semaphore_mem>>) src(%arg8 : memref<16x1024xf32, #tpu.memory_space<vmem>>) dst(%dma_wait3A_112 : memref<16x1024xf32, #tpu.memory_space<hbm>>)
    %dma_start3A_113 = arith.constant 144 : i32
    %dma_start3A_114 = tpu.memref_slice %arg5[%dma_start3A_113] : memref<512xi32, #tpu.memory_space<vmem>> -> memref<16xi32, #tpu.memory_space<vmem>>
    %dma_start3A_115 = arith.constant 0 : i32
    %dma_start3A_116 = arith.constant 0 : i32
    %dma_start3A_117 = tpu.memref_slice %arg3[%dma_start3A_115, %dma_start3A_116] : memref<151936x1024xf32, #tpu.memory_space<hbm>> -> memref<151936x1024xf32, #tpu.memory_space<hbm>>
    tpu.enqueue_indirect_dma source(%dma_start3A_117 : memref<151936x1024xf32, #tpu.memory_space<hbm>>) target(%arg8 : memref<16x1024xf32, #tpu.memory_space<vmem>>) offsets(%dma_start3A_114 : memref<16xi32, #tpu.memory_space<vmem>>) semaphore(%arg15 : memref<!tpu.dma_semaphore, #tpu.memory_space<semaphore_mem>>)
    %dma_wait3A_118 = arith.constant 80 : i32
    %dma_wait3A_119 = tpu.memref_slice %arg5[%dma_wait3A_118] : memref<512xi32, #tpu.memory_space<vmem>> -> memref<16xi32, #tpu.memory_space<vmem>>
    %dma_wait3A_120 = arith.constant 0 : i32
    %dma_wait3A_121 = arith.constant 0 : i32
    %dma_wait3A_122 = tpu.memref_slice %arg3[%dma_wait3A_120, %dma_wait3A_121] : memref<151936x1024xf32, #tpu.memory_space<hbm>> -> memref<151936x1024xf32, #tpu.memory_space<hbm>>
    tpu.wait_indirect_dma semaphore(%arg18 : memref<!tpu.dma_semaphore, #tpu.memory_space<semaphore_mem>>) src(%dma_wait3A_122 : memref<151936x1024xf32, #tpu.memory_space<hbm>>) dst(%arg11 : memref<16x1024xf32, #tpu.memory_space<vmem>>)
    %add3A_123 = arith.constant 80 : i32
    %add3A_124 = arith.addi %mul3A_2, %add3A_123 : i32
    %dma_start3A_125 = arith.constant 0 : i32
    %dma_start3A_126 = tpu.memref_slice %arg4[%add3A_124, %dma_start3A_125] : memref<16384x1024xf32, #tpu.memory_space<hbm>> -> memref<16x1024xf32, #tpu.memory_space<hbm>>
    %dma_start3A_127 = arith.constant 0 : i32
    %dma_start3A_128 = tpu.memref_slice %arg4[%add3A_124, %dma_start3A_127] : memref<16384x1024xf32, #tpu.memory_space<hbm>> -> memref<16x1024xf32, #tpu.memory_space<hbm>>
    tpu.enqueue_dma source(%arg11 : memref<16x1024xf32, #tpu.memory_space<vmem>>) target(%dma_start3A_128 : memref<16x1024xf32, #tpu.memory_space<hbm>>) target_semaphore(%arg25 : memref<!tpu.dma_semaphore, #tpu.memory_space<semaphore_mem>>)
    %dma_wait3A_129 = arith.constant 0 : i32
    %dma_wait3A_130 = tpu.memref_slice %arg4[%add3A_84, %dma_wait3A_129] : memref<16384x1024xf32, #tpu.memory_space<hbm>> -> memref<16x1024xf32, #tpu.memory_space<hbm>>
    %dma_wait3A_131 = arith.constant 0 : i32
    %dma_wait3A_132 = tpu.memref_slice %arg4[%add3A_84, %dma_wait3A_131] : memref<16384x1024xf32, #tpu.memory_space<hbm>> -> memref<16x1024xf32, #tpu.memory_space<hbm>>
    tpu.wait_dma2 semaphore(%arg23 : memref<!tpu.dma_semaphore, #tpu.memory_space<semaphore_mem>>) src(%arg9 : memref<16x1024xf32, #tpu.memory_space<vmem>>) dst(%dma_wait3A_132 : memref<16x1024xf32, #tpu.memory_space<hbm>>)
    %dma_start3A_133 = arith.constant 160 : i32
    %dma_start3A_134 = tpu.memref_slice %arg5[%dma_start3A_133] : memref<512xi32, #tpu.memory_space<vmem>> -> memref<16xi32, #tpu.memory_space<vmem>>
    %dma_start3A_135 = arith.constant 0 : i32
    %dma_start3A_136 = arith.constant 0 : i32
    %dma_start3A_137 = tpu.memref_slice %arg3[%dma_start3A_135, %dma_start3A_136] : memref<151936x1024xf32, #tpu.memory_space<hbm>> -> memref<151936x1024xf32, #tpu.memory_space<hbm>>
    tpu.enqueue_indirect_dma source(%dma_start3A_137 : memref<151936x1024xf32, #tpu.memory_space<hbm>>) target(%arg9 : memref<16x1024xf32, #tpu.memory_space<vmem>>) offsets(%dma_start3A_134 : memref<16xi32, #tpu.memory_space<vmem>>) semaphore(%arg16 : memref<!tpu.dma_semaphore, #tpu.memory_space<semaphore_mem>>)
    %dma_wait3A_138 = arith.constant 96 : i32
    %dma_wait3A_139 = tpu.memref_slice %arg5[%dma_wait3A_138] : memref<512xi32, #tpu.memory_space<vmem>> -> memref<16xi32, #tpu.memory_space<vmem>>
    %dma_wait3A_140 = arith.constant 0 : i32
    %dma_wait3A_141 = arith.constant 0 : i32
    %dma_wait3A_142 = tpu.memref_slice %arg3[%dma_wait3A_140, %dma_wait3A_141] : memref<151936x1024xf32, #tpu.memory_space<hbm>> -> memref<151936x1024xf32, #tpu.memory_space<hbm>>
    tpu.wait_indirect_dma semaphore(%arg19 : memref<!tpu.dma_semaphore, #tpu.memory_space<semaphore_mem>>) src(%dma_wait3A_142 : memref<151936x1024xf32, #tpu.memory_space<hbm>>) dst(%arg12 : memref<16x1024xf32, #tpu.memory_space<vmem>>)
    %add3A_143 = arith.constant 96 : i32
    %add3A_144 = arith.addi %mul3A_2, %add3A_143 : i32
    %dma_start3A_145 = arith.constant 0 : i32
    %dma_start3A_146 = tpu.memref_slice %arg4[%add3A_144, %dma_start3A_145] : memref<16384x1024xf32, #tpu.memory_space<hbm>> -> memref<16x1024xf32, #tpu.memory_space<hbm>>
    %dma_start3A_147 = arith.constant 0 : i32
    %dma_start3A_148 = tpu.memref_slice %arg4[%add3A_144, %dma_start3A_147] : memref<16384x1024xf32, #tpu.memory_space<hbm>> -> memref<16x1024xf32, #tpu.memory_space<hbm>>
    tpu.enqueue_dma source(%arg12 : memref<16x1024xf32, #tpu.memory_space<vmem>>) target(%dma_start3A_148 : memref<16x1024xf32, #tpu.memory_space<hbm>>) target_semaphore(%arg26 : memref<!tpu.dma_semaphore, #tpu.memory_space<semaphore_mem>>)
    %dma_wait3A_149 = arith.constant 0 : i32
    %dma_wait3A_150 = tpu.memref_slice %arg4[%add3A_104, %dma_wait3A_149] : memref<16384x1024xf32, #tpu.memory_space<hbm>> -> memref<16x1024xf32, #tpu.memory_space<hbm>>
    %dma_wait3A_151 = arith.constant 0 : i32
    %dma_wait3A_152 = tpu.memref_slice %arg4[%add3A_104, %dma_wait3A_151] : memref<16384x1024xf32, #tpu.memory_space<hbm>> -> memref<16x1024xf32, #tpu.memory_space<hbm>>
    tpu.wait_dma2 semaphore(%arg24 : memref<!tpu.dma_semaphore, #tpu.memory_space<semaphore_mem>>) src(%arg10 : memref<16x1024xf32, #tpu.memory_space<vmem>>) dst(%dma_wait3A_152 : memref<16x1024xf32, #tpu.memory_space<hbm>>)
    %dma_start3A_153 = arith.constant 176 : i32
    %dma_start3A_154 = tpu.memref_slice %arg5[%dma_start3A_153] : memref<512xi32, #tpu.memory_space<vmem>> -> memref<16xi32, #tpu.memory_space<vmem>>
    %dma_start3A_155 = arith.constant 0 : i32
    %dma_start3A_156 = arith.constant 0 : i32
    %dma_start3A_157 = tpu.memref_slice %arg3[%dma_start3A_155, %dma_start3A_156] : memref<151936x1024xf32, #tpu.memory_space<hbm>> -> memref<151936x1024xf32, #tpu.memory_space<hbm>>
    tpu.enqueue_indirect_dma source(%dma_start3A_157 : memref<151936x1024xf32, #tpu.memory_space<hbm>>) target(%arg10 : memref<16x1024xf32, #tpu.memory_space<vmem>>) offsets(%dma_start3A_154 : memref<16xi32, #tpu.memory_space<vmem>>) semaphore(%arg17 : memref<!tpu.dma_semaphore, #tpu.memory_space<semaphore_mem>>)
    %dma_wait3A_158 = arith.constant 112 : i32
    %dma_wait3A_159 = tpu.memref_slice %arg5[%dma_wait3A_158] : memref<512xi32, #tpu.memory_space<vmem>> -> memref<16xi32, #tpu.memory_space<vmem>>
    %dma_wait3A_160 = arith.constant 0 : i32
    %dma_wait3A_161 = arith.constant 0 : i32
    %dma_wait3A_162 = tpu.memref_slice %arg3[%dma_wait3A_160, %dma_wait3A_161] : memref<151936x1024xf32, #tpu.memory_space<hbm>> -> memref<151936x1024xf32, #tpu.memory_space<hbm>>
    tpu.wait_indirect_dma semaphore(%arg13 : memref<!tpu.dma_semaphore, #tpu.memory_space<semaphore_mem>>) src(%dma_wait3A_162 : memref<151936x1024xf32, #tpu.memory_space<hbm>>) dst(%arg6 : memref<16x1024xf32, #tpu.memory_space<vmem>>)
    %add3A_163 = arith.constant 112 : i32
    %add3A_164 = arith.addi %mul3A_2, %add3A_163 : i32
    %dma_start3A_165 = arith.constant 0 : i32
    %dma_start3A_166 = tpu.memref_slice %arg4[%add3A_164, %dma_start3A_165] : memref<16384x1024xf32, #tpu.memory_space<hbm>> -> memref<16x1024xf32, #tpu.memory_space<hbm>>
    %dma_start3A_167 = arith.constant 0 : i32
    %dma_start3A_168 = tpu.memref_slice %arg4[%add3A_164, %dma_start3A_167] : memref<16384x1024xf32, #tpu.memory_space<hbm>> -> memref<16x1024xf32, #tpu.memory_space<hbm>>
    tpu.enqueue_dma source(%arg6 : memref<16x1024xf32, #tpu.memory_space<vmem>>) target(%dma_start3A_168 : memref<16x1024xf32, #tpu.memory_space<hbm>>) target_semaphore(%arg20 : memref<!tpu.dma_semaphore, #tpu.memory_space<semaphore_mem>>)
    %dma_wait3A_169 = arith.constant 0 : i32
    %dma_wait3A_170 = tpu.memref_slice %arg4[%add3A_124, %dma_wait3A_169] : memref<16384x1024xf32, #tpu.memory_space<hbm>> -> memref<16x1024xf32, #tpu.memory_space<hbm>>
    %dma_wait3A_171 = arith.constant 0 : i32
    %dma_wait3A_172 = tpu.memref_slice %arg4[%add3A_124, %dma_wait3A_171] : memref<16384x1024xf32, #tpu.memory_space<hbm>> -> memref<16x1024xf32, #tpu.memory_space<hbm>>
    tpu.wait_dma2 semaphore(%arg25 : memref<!tpu.dma_semaphore, #tpu.memory_space<semaphore_mem>>) src(%arg11 : memref<16x1024xf32, #tpu.memory_space<vmem>>) dst(%dma_wait3A_172 : memref<16x1024xf32, #tpu.memory_space<hbm>>)
    %dma_start3A_173 = arith.constant 192 : i32
    %dma_start3A_174 = tpu.memref_slice %arg5[%dma_start3A_173] : memref<512xi32, #tpu.memory_space<vmem>> -> memref<16xi32, #tpu.memory_space<vmem>>
    %dma_start3A_175 = arith.constant 0 : i32
    %dma_start3A_176 = arith.constant 0 : i32
    %dma_start3A_177 = tpu.memref_slice %arg3[%dma_start3A_175, %dma_start3A_176] : memref<151936x1024xf32, #tpu.memory_space<hbm>> -> memref<151936x1024xf32, #tpu.memory_space<hbm>>
    tpu.enqueue_indirect_dma source(%dma_start3A_177 : memref<151936x1024xf32, #tpu.memory_space<hbm>>) target(%arg11 : memref<16x1024xf32, #tpu.memory_space<vmem>>) offsets(%dma_start3A_174 : memref<16xi32, #tpu.memory_space<vmem>>) semaphore(%arg18 : memref<!tpu.dma_semaphore, #tpu.memory_space<semaphore_mem>>)
    %dma_wait3A_178 = arith.constant 128 : i32
    %dma_wait3A_179 = tpu.memref_slice %arg5[%dma_wait3A_178] : memref<512xi32, #tpu.memory_space<vmem>> -> memref<16xi32, #tpu.memory_space<vmem>>
    %dma_wait3A_180 = arith.constant 0 : i32
    %dma_wait3A_181 = arith.constant 0 : i32
    %dma_wait3A_182 = tpu.memref_slice %arg3[%dma_wait3A_180, %dma_wait3A_181] : memref<151936x1024xf32, #tpu.memory_space<hbm>> -> memref<151936x1024xf32, #tpu.memory_space<hbm>>
    tpu.wait_indirect_dma semaphore(%arg14 : memref<!tpu.dma_semaphore, #tpu.memory_space<semaphore_mem>>) src(%dma_wait3A_182 : memref<151936x1024xf32, #tpu.memory_space<hbm>>) dst(%arg7 : memref<16x1024xf32, #tpu.memory_space<vmem>>)
    %add3A_183 = arith.constant 128 : i32
    %add3A_184 = arith.addi %mul3A_2, %add3A_183 : i32
    %dma_start3A_185 = arith.constant 0 : i32
    %dma_start3A_186 = tpu.memref_slice %arg4[%add3A_184, %dma_start3A_185] : memref<16384x1024xf32, #tpu.memory_space<hbm>> -> memref<16x1024xf32, #tpu.memory_space<hbm>>
    %dma_start3A_187 = arith.constant 0 : i32
    %dma_start3A_188 = tpu.memref_slice %arg4[%add3A_184, %dma_start3A_187] : memref<16384x1024xf32, #tpu.memory_space<hbm>> -> memref<16x1024xf32, #tpu.memory_space<hbm>>
    tpu.enqueue_dma source(%arg7 : memref<16x1024xf32, #tpu.memory_space<vmem>>) target(%dma_start3A_188 : memref<16x1024xf32, #tpu.memory_space<hbm>>) target_semaphore(%arg21 : memref<!tpu.dma_semaphore, #tpu.memory_space<semaphore_mem>>)
    %dma_wait3A_189 = arith.constant 0 : i32
    %dma_wait3A_190 = tpu.memref_slice %arg4[%add3A_144, %dma_wait3A_189] : memref<16384x1024xf32, #tpu.memory_space<hbm>> -> memref<16x1024xf32, #tpu.memory_space<hbm>>
    %dma_wait3A_191 = arith.constant 0 : i32
    %dma_wait3A_192 = tpu.memref_slice %arg4[%add3A_144, %dma_wait3A_191] : memref<16384x1024xf32, #tpu.memory_space<hbm>> -> memref<16x1024xf32, #tpu.memory_space<hbm>>
    tpu.wait_dma2 semaphore(%arg26 : memref<!tpu.dma_semaphore, #tpu.memory_space<semaphore_mem>>) src(%arg12 : memref<16x1024xf32, #tpu.memory_space<vmem>>) dst(%dma_wait3A_192 : memref<16x1024xf32, #tpu.memory_space<hbm>>)
    %dma_start3A_193 = arith.constant 208 : i32
    %dma_start3A_194 = tpu.memref_slice %arg5[%dma_start3A_193] : memref<512xi32, #tpu.memory_space<vmem>> -> memref<16xi32, #tpu.memory_space<vmem>>
    %dma_start3A_195 = arith.constant 0 : i32
    %dma_start3A_196 = arith.constant 0 : i32
    %dma_start3A_197 = tpu.memref_slice %arg3[%dma_start3A_195, %dma_start3A_196] : memref<151936x1024xf32, #tpu.memory_space<hbm>> -> memref<151936x1024xf32, #tpu.memory_space<hbm>>
    tpu.enqueue_indirect_dma source(%dma_start3A_197 : memref<151936x1024xf32, #tpu.memory_space<hbm>>) target(%arg12 : memref<16x1024xf32, #tpu.memory_space<vmem>>) offsets(%dma_start3A_194 : memref<16xi32, #tpu.memory_space<vmem>>) semaphore(%arg19 : memref<!tpu.dma_semaphore, #tpu.memory_space<semaphore_mem>>)
    %dma_wait3A_198 = arith.constant 144 : i32
    %dma_wait3A_199 = tpu.memref_slice %arg5[%dma_wait3A_198] : memref<512xi32, #tpu.memory_space<vmem>> -> memref<16xi32, #tpu.memory_space<vmem>>
    %dma_wait3A_200 = arith.constant 0 : i32
    %dma_wait3A_201 = arith.constant 0 : i32
    %dma_wait3A_202 = tpu.memref_slice %arg3[%dma_wait3A_200, %dma_wait3A_201] : memref<151936x1024xf32, #tpu.memory_space<hbm>> -> memref<151936x1024xf32, #tpu.memory_space<hbm>>
    tpu.wait_indirect_dma semaphore(%arg15 : memref<!tpu.dma_semaphore, #tpu.memory_space<semaphore_mem>>) src(%dma_wait3A_202 : memref<151936x1024xf32, #tpu.memory_space<hbm>>) dst(%arg8 : memref<16x1024xf32, #tpu.memory_space<vmem>>)
    %add3A_203 = arith.constant 144 : i32
    %add3A_204 = arith.addi %mul3A_2, %add3A_203 : i32
    %dma_start3A_205 = arith.constant 0 : i32
    %dma_start3A_206 = tpu.memref_slice %arg4[%add3A_204, %dma_start3A_205] : memref<16384x1024xf32, #tpu.memory_space<hbm>> -> memref<16x1024xf32, #tpu.memory_space<hbm>>
    %dma_start3A_207 = arith.constant 0 : i32
    %dma_start3A_208 = tpu.memref_slice %arg4[%add3A_204, %dma_start3A_207] : memref<16384x1024xf32, #tpu.memory_space<hbm>> -> memref<16x1024xf32, #tpu.memory_space<hbm>>
    tpu.enqueue_dma source(%arg8 : memref<16x1024xf32, #tpu.memory_space<vmem>>) target(%dma_start3A_208 : memref<16x1024xf32, #tpu.memory_space<hbm>>) target_semaphore(%arg22 : memref<!tpu.dma_semaphore, #tpu.memory_space<semaphore_mem>>)
    %dma_wait3A_209 = arith.constant 0 : i32
    %dma_wait3A_210 = tpu.memref_slice %arg4[%add3A_164, %dma_wait3A_209] : memref<16384x1024xf32, #tpu.memory_space<hbm>> -> memref<16x1024xf32, #tpu.memory_space<hbm>>
    %dma_wait3A_211 = arith.constant 0 : i32
    %dma_wait3A_212 = tpu.memref_slice %arg4[%add3A_164, %dma_wait3A_211] : memref<16384x1024xf32, #tpu.memory_space<hbm>> -> memref<16x1024xf32, #tpu.memory_space<hbm>>
    tpu.wait_dma2 semaphore(%arg20 : memref<!tpu.dma_semaphore, #tpu.memory_space<semaphore_mem>>) src(%arg6 : memref<16x1024xf32, #tpu.memory_space<vmem>>) dst(%dma_wait3A_212 : memref<16x1024xf32, #tpu.memory_space<hbm>>)
    %dma_start3A_213 = arith.constant 224 : i32
    %dma_start3A_214 = tpu.memref_slice %arg5[%dma_start3A_213] : memref<512xi32, #tpu.memory_space<vmem>> -> memref<16xi32, #tpu.memory_space<vmem>>
    %dma_start3A_215 = arith.constant 0 : i32
    %dma_start3A_216 = arith.constant 0 : i32
    %dma_start3A_217 = tpu.memref_slice %arg3[%dma_start3A_215, %dma_start3A_216] : memref<151936x1024xf32, #tpu.memory_space<hbm>> -> memref<151936x1024xf32, #tpu.memory_space<hbm>>
    tpu.enqueue_indirect_dma source(%dma_start3A_217 : memref<151936x1024xf32, #tpu.memory_space<hbm>>) target(%arg6 : memref<16x1024xf32, #tpu.memory_space<vmem>>) offsets(%dma_start3A_214 : memref<16xi32, #tpu.memory_space<vmem>>) semaphore(%arg13 : memref<!tpu.dma_semaphore, #tpu.memory_space<semaphore_mem>>)
    %dma_wait3A_218 = arith.constant 160 : i32
    %dma_wait3A_219 = tpu.memref_slice %arg5[%dma_wait3A_218] : memref<512xi32, #tpu.memory_space<vmem>> -> memref<16xi32, #tpu.memory_space<vmem>>
    %dma_wait3A_220 = arith.constant 0 : i32
    %dma_wait3A_221 = arith.constant 0 : i32
    %dma_wait3A_222 = tpu.memref_slice %arg3[%dma_wait3A_220, %dma_wait3A_221] : memref<151936x1024xf32, #tpu.memory_space<hbm>> -> memref<151936x1024xf32, #tpu.memory_space<hbm>>
    tpu.wait_indirect_dma semaphore(%arg16 : memref<!tpu.dma_semaphore, #tpu.memory_space<semaphore_mem>>) src(%dma_wait3A_222 : memref<151936x1024xf32, #tpu.memory_space<hbm>>) dst(%arg9 : memref<16x1024xf32, #tpu.memory_space<vmem>>)
    %add3A_223 = arith.constant 160 : i32
    %add3A_224 = arith.addi %mul3A_2, %add3A_223 : i32
    %dma_start3A_225 = arith.constant 0 : i32
    %dma_start3A_226 = tpu.memref_slice %arg4[%add3A_224, %dma_start3A_225] : memref<16384x1024xf32, #tpu.memory_space<hbm>> -> memref<16x1024xf32, #tpu.memory_space<hbm>>
    %dma_start3A_227 = arith.constant 0 : i32
    %dma_start3A_228 = tpu.memref_slice %arg4[%add3A_224, %dma_start3A_227] : memref<16384x1024xf32, #tpu.memory_space<hbm>> -> memref<16x1024xf32, #tpu.memory_space<hbm>>
    tpu.enqueue_dma source(%arg9 : memref<16x1024xf32, #tpu.memory_space<vmem>>) target(%dma_start3A_228 : memref<16x1024xf32, #tpu.memory_space<hbm>>) target_semaphore(%arg23 : memref<!tpu.dma_semaphore, #tpu.memory_space<semaphore_mem>>)
    %dma_wait3A_229 = arith.constant 0 : i32
    %dma_wait3A_230 = tpu.memref_slice %arg4[%add3A_184, %dma_wait3A_229] : memref<16384x1024xf32, #tpu.memory_space<hbm>> -> memref<16x1024xf32, #tpu.memory_space<hbm>>
    %dma_wait3A_231 = arith.constant 0 : i32
    %dma_wait3A_232 = tpu.memref_slice %arg4[%add3A_184, %dma_wait3A_231] : memref<16384x1024xf32, #tpu.memory_space<hbm>> -> memref<16x1024xf32, #tpu.memory_space<hbm>>
    tpu.wait_dma2 semaphore(%arg21 : memref<!tpu.dma_semaphore, #tpu.memory_space<semaphore_mem>>) src(%arg7 : memref<16x1024xf32, #tpu.memory_space<vmem>>) dst(%dma_wait3A_232 : memref<16x1024xf32, #tpu.memory_space<hbm>>)
    %dma_start3A_233 = arith.constant 240 : i32
    %dma_start3A_234 = tpu.memref_slice %arg5[%dma_start3A_233] : memref<512xi32, #tpu.memory_space<vmem>> -> memref<16xi32, #tpu.memory_space<vmem>>
    %dma_start3A_235 = arith.constant 0 : i32
    %dma_start3A_236 = arith.constant 0 : i32
    %dma_start3A_237 = tpu.memref_slice %arg3[%dma_start3A_235, %dma_start3A_236] : memref<151936x1024xf32, #tpu.memory_space<hbm>> -> memref<151936x1024xf32, #tpu.memory_space<hbm>>
    tpu.enqueue_indirect_dma source(%dma_start3A_237 : memref<151936x1024xf32, #tpu.memory_space<hbm>>) target(%arg7 : memref<16x1024xf32, #tpu.memory_space<vmem>>) offsets(%dma_start3A_234 : memref<16xi32, #tpu.memory_space<vmem>>) semaphore(%arg14 : memref<!tpu.dma_semaphore, #tpu.memory_space<semaphore_mem>>)
    %dma_wait3A_238 = arith.constant 176 : i32
    %dma_wait3A_239 = tpu.memref_slice %arg5[%dma_wait3A_238] : memref<512xi32, #tpu.memory_space<vmem>> -> memref<16xi32, #tpu.memory_space<vmem>>
    %dma_wait3A_240 = arith.constant 0 : i32
    %dma_wait3A_241 = arith.constant 0 : i32
    %dma_wait3A_242 = tpu.memref_slice %arg3[%dma_wait3A_240, %dma_wait3A_241] : memref<151936x1024xf32, #tpu.memory_space<hbm>> -> memref<151936x1024xf32, #tpu.memory_space<hbm>>
    tpu.wait_indirect_dma semaphore(%arg17 : memref<!tpu.dma_semaphore, #tpu.memory_space<semaphore_mem>>) src(%dma_wait3A_242 : memref<151936x1024xf32, #tpu.memory_space<hbm>>) dst(%arg10 : memref<16x1024xf32, #tpu.memory_space<vmem>>)
    %add3A_243 = arith.constant 176 : i32
    %add3A_244 = arith.addi %mul3A_2, %add3A_243 : i32
    %dma_start3A_245 = arith.constant 0 : i32
    %dma_start3A_246 = tpu.memref_slice %arg4[%add3A_244, %dma_start3A_245] : memref<16384x1024xf32, #tpu.memory_space<hbm>> -> memref<16x1024xf32, #tpu.memory_space<hbm>>
    %dma_start3A_247 = arith.constant 0 : i32
    %dma_start3A_248 = tpu.memref_slice %arg4[%add3A_244, %dma_start3A_247] : memref<16384x1024xf32, #tpu.memory_space<hbm>> -> memref<16x1024xf32, #tpu.memory_space<hbm>>
    tpu.enqueue_dma source(%arg10 : memref<16x1024xf32, #tpu.memory_space<vmem>>) target(%dma_start3A_248 : memref<16x1024xf32, #tpu.memory_space<hbm>>) target_semaphore(%arg24 : memref<!tpu.dma_semaphore, #tpu.memory_space<semaphore_mem>>)
    %dma_wait3A_249 = arith.constant 0 : i32
    %dma_wait3A_250 = tpu.memref_slice %arg4[%add3A_204, %dma_wait3A_249] : memref<16384x1024xf32, #tpu.memory_space<hbm>> -> memref<16x1024xf32, #tpu.memory_space<hbm>>
    %dma_wait3A_251 = arith.constant 0 : i32
    %dma_wait3A_252 = tpu.memref_slice %arg4[%add3A_204, %dma_wait3A_251] : memref<16384x1024xf32, #tpu.memory_space<hbm>> -> memref<16x1024xf32, #tpu.memory_space<hbm>>
    tpu.wait_dma2 semaphore(%arg22 : memref<!tpu.dma_semaphore, #tpu.memory_space<semaphore_mem>>) src(%arg8 : memref<16x1024xf32, #tpu.memory_space<vmem>>) dst(%dma_wait3A_252 : memref<16x1024xf32, #tpu.memory_space<hbm>>)
    %dma_start3A_253 = arith.constant 256 : i32
    %dma_start3A_254 = tpu.memref_slice %arg5[%dma_start3A_253] : memref<512xi32, #tpu.memory_space<vmem>> -> memref<16xi32, #tpu.memory_space<vmem>>
    %dma_start3A_255 = arith.constant 0 : i32
    %dma_start3A_256 = arith.constant 0 : i32
    %dma_start3A_257 = tpu.memref_slice %arg3[%dma_start3A_255, %dma_start3A_256] : memref<151936x1024xf32, #tpu.memory_space<hbm>> -> memref<151936x1024xf32, #tpu.memory_space<hbm>>
    tpu.enqueue_indirect_dma source(%dma_start3A_257 : memref<151936x1024xf32, #tpu.memory_space<hbm>>) target(%arg8 : memref<16x1024xf32, #tpu.memory_space<vmem>>) offsets(%dma_start3A_254 : memref<16xi32, #tpu.memory_space<vmem>>) semaphore(%arg15 : memref<!tpu.dma_semaphore, #tpu.memory_space<semaphore_mem>>)
    %dma_wait3A_258 = arith.constant 192 : i32
    %dma_wait3A_259 = tpu.memref_slice %arg5[%dma_wait3A_258] : memref<512xi32, #tpu.memory_space<vmem>> -> memref<16xi32, #tpu.memory_space<vmem>>
    %dma_wait3A_260 = arith.constant 0 : i32
    %dma_wait3A_261 = arith.constant 0 : i32
    %dma_wait3A_262 = tpu.memref_slice %arg3[%dma_wait3A_260, %dma_wait3A_261] : memref<151936x1024xf32, #tpu.memory_space<hbm>> -> memref<151936x1024xf32, #tpu.memory_space<hbm>>
    tpu.wait_indirect_dma semaphore(%arg18 : memref<!tpu.dma_semaphore, #tpu.memory_space<semaphore_mem>>) src(%dma_wait3A_262 : memref<151936x1024xf32, #tpu.memory_space<hbm>>) dst(%arg11 : memref<16x1024xf32, #tpu.memory_space<vmem>>)
    %add3A_263 = arith.constant 192 : i32
    %add3A_264 = arith.addi %mul3A_2, %add3A_263 : i32
    %dma_start3A_265 = arith.constant 0 : i32
    %dma_start3A_266 = tpu.memref_slice %arg4[%add3A_264, %dma_start3A_265] : memref<16384x1024xf32, #tpu.memory_space<hbm>> -> memref<16x1024xf32, #tpu.memory_space<hbm>>
    %dma_start3A_267 = arith.constant 0 : i32
    %dma_start3A_268 = tpu.memref_slice %arg4[%add3A_264, %dma_start3A_267] : memref<16384x1024xf32, #tpu.memory_space<hbm>> -> memref<16x1024xf32, #tpu.memory_space<hbm>>
    tpu.enqueue_dma source(%arg11 : memref<16x1024xf32, #tpu.memory_space<vmem>>) target(%dma_start3A_268 : memref<16x1024xf32, #tpu.memory_space<hbm>>) target_semaphore(%arg25 : memref<!tpu.dma_semaphore, #tpu.memory_space<semaphore_mem>>)
    %dma_wait3A_269 = arith.constant 0 : i32
    %dma_wait3A_270 = tpu.memref_slice %arg4[%add3A_224, %dma_wait3A_269] : memref<16384x1024xf32, #tpu.memory_space<hbm>> -> memref<16x1024xf32, #tpu.memory_space<hbm>>
    %dma_wait3A_271 = arith.constant 0 : i32
    %dma_wait3A_272 = tpu.memref_slice %arg4[%add3A_224, %dma_wait3A_271] : memref<16384x1024xf32, #tpu.memory_space<hbm>> -> memref<16x1024xf32, #tpu.memory_space<hbm>>
    tpu.wait_dma2 semaphore(%arg23 : memref<!tpu.dma_semaphore, #tpu.memory_space<semaphore_mem>>) src(%arg9 : memref<16x1024xf32, #tpu.memory_space<vmem>>) dst(%dma_wait3A_272 : memref<16x1024xf32, #tpu.memory_space<hbm>>)
    %dma_start3A_273 = arith.constant 272 : i32
    %dma_start3A_274 = tpu.memref_slice %arg5[%dma_start3A_273] : memref<512xi32, #tpu.memory_space<vmem>> -> memref<16xi32, #tpu.memory_space<vmem>>
    %dma_start3A_275 = arith.constant 0 : i32
    %dma_start3A_276 = arith.constant 0 : i32
    %dma_start3A_277 = tpu.memref_slice %arg3[%dma_start3A_275, %dma_start3A_276] : memref<151936x1024xf32, #tpu.memory_space<hbm>> -> memref<151936x1024xf32, #tpu.memory_space<hbm>>
    tpu.enqueue_indirect_dma source(%dma_start3A_277 : memref<151936x1024xf32, #tpu.memory_space<hbm>>) target(%arg9 : memref<16x1024xf32, #tpu.memory_space<vmem>>) offsets(%dma_start3A_274 : memref<16xi32, #tpu.memory_space<vmem>>) semaphore(%arg16 : memref<!tpu.dma_semaphore, #tpu.memory_space<semaphore_mem>>)
    %dma_wait3A_278 = arith.constant 208 : i32
    %dma_wait3A_279 = tpu.memref_slice %arg5[%dma_wait3A_278] : memref<512xi32, #tpu.memory_space<vmem>> -> memref<16xi32, #tpu.memory_space<vmem>>
    %dma_wait3A_280 = arith.constant 0 : i32
    %dma_wait3A_281 = arith.constant 0 : i32
    %dma_wait3A_282 = tpu.memref_slice %arg3[%dma_wait3A_280, %dma_wait3A_281] : memref<151936x1024xf32, #tpu.memory_space<hbm>> -> memref<151936x1024xf32, #tpu.memory_space<hbm>>
    tpu.wait_indirect_dma semaphore(%arg19 : memref<!tpu.dma_semaphore, #tpu.memory_space<semaphore_mem>>) src(%dma_wait3A_282 : memref<151936x1024xf32, #tpu.memory_space<hbm>>) dst(%arg12 : memref<16x1024xf32, #tpu.memory_space<vmem>>)
    %add3A_283 = arith.constant 208 : i32
    %add3A_284 = arith.addi %mul3A_2, %add3A_283 : i32
    %dma_start3A_285 = arith.constant 0 : i32
    %dma_start3A_286 = tpu.memref_slice %arg4[%add3A_284, %dma_start3A_285] : memref<16384x1024xf32, #tpu.memory_space<hbm>> -> memref<16x1024xf32, #tpu.memory_space<hbm>>
    %dma_start3A_287 = arith.constant 0 : i32
    %dma_start3A_288 = tpu.memref_slice %arg4[%add3A_284, %dma_start3A_287] : memref<16384x1024xf32, #tpu.memory_space<hbm>> -> memref<16x1024xf32, #tpu.memory_space<hbm>>
    tpu.enqueue_dma source(%arg12 : memref<16x1024xf32, #tpu.memory_space<vmem>>) target(%dma_start3A_288 : memref<16x1024xf32, #tpu.memory_space<hbm>>) target_semaphore(%arg26 : memref<!tpu.dma_semaphore, #tpu.memory_space<semaphore_mem>>)
    %dma_wait3A_289 = arith.constant 0 : i32
    %dma_wait3A_290 = tpu.memref_slice %arg4[%add3A_244, %dma_wait3A_289] : memref<16384x1024xf32, #tpu.memory_space<hbm>> -> memref<16x1024xf32, #tpu.memory_space<hbm>>
    %dma_wait3A_291 = arith.constant 0 : i32
    %dma_wait3A_292 = tpu.memref_slice %arg4[%add3A_244, %dma_wait3A_291] : memref<16384x1024xf32, #tpu.memory_space<hbm>> -> memref<16x1024xf32, #tpu.memory_space<hbm>>
    tpu.wait_dma2 semaphore(%arg24 : memref<!tpu.dma_semaphore, #tpu.memory_space<semaphore_mem>>) src(%arg10 : memref<16x1024xf32, #tpu.memory_space<vmem>>) dst(%dma_wait3A_292 : memref<16x1024xf32, #tpu.memory_space<hbm>>)
    %dma_start3A_293 = arith.constant 288 : i32
    %dma_start3A_294 = tpu.memref_slice %arg5[%dma_start3A_293] : memref<512xi32, #tpu.memory_space<vmem>> -> memref<16xi32, #tpu.memory_space<vmem>>
    %dma_start3A_295 = arith.constant 0 : i32
    %dma_start3A_296 = arith.constant 0 : i32
    %dma_start3A_297 = tpu.memref_slice %arg3[%dma_start3A_295, %dma_start3A_296] : memref<151936x1024xf32, #tpu.memory_space<hbm>> -> memref<151936x1024xf32, #tpu.memory_space<hbm>>
    tpu.enqueue_indirect_dma source(%dma_start3A_297 : memref<151936x1024xf32, #tpu.memory_space<hbm>>) target(%arg10 : memref<16x1024xf32, #tpu.memory_space<vmem>>) offsets(%dma_start3A_294 : memref<16xi32, #tpu.memory_space<vmem>>) semaphore(%arg17 : memref<!tpu.dma_semaphore, #tpu.memory_space<semaphore_mem>>)
    %dma_wait3A_298 = arith.constant 224 : i32
    %dma_wait3A_299 = tpu.memref_slice %arg5[%dma_wait3A_298] : memref<512xi32, #tpu.memory_space<vmem>> -> memref<16xi32, #tpu.memory_space<vmem>>
    %dma_wait3A_300 = arith.constant 0 : i32
    %dma_wait3A_301 = arith.constant 0 : i32
    %dma_wait3A_302 = tpu.memref_slice %arg3[%dma_wait3A_300, %dma_wait3A_301] : memref<151936x1024xf32, #tpu.memory_space<hbm>> -> memref<151936x1024xf32, #tpu.memory_space<hbm>>
    tpu.wait_indirect_dma semaphore(%arg13 : memref<!tpu.dma_semaphore, #tpu.memory_space<semaphore_mem>>) src(%dma_wait3A_302 : memref<151936x1024xf32, #tpu.memory_space<hbm>>) dst(%arg6 : memref<16x1024xf32, #tpu.memory_space<vmem>>)
    %add3A_303 = arith.constant 224 : i32
    %add3A_304 = arith.addi %mul3A_2, %add3A_303 : i32
    %dma_start3A_305 = arith.constant 0 : i32
    %dma_start3A_306 = tpu.memref_slice %arg4[%add3A_304, %dma_start3A_305] : memref<16384x1024xf32, #tpu.memory_space<hbm>> -> memref<16x1024xf32, #tpu.memory_space<hbm>>
    %dma_start3A_307 = arith.constant 0 : i32
    %dma_start3A_308 = tpu.memref_slice %arg4[%add3A_304, %dma_start3A_307] : memref<16384x1024xf32, #tpu.memory_space<hbm>> -> memref<16x1024xf32, #tpu.memory_space<hbm>>
    tpu.enqueue_dma source(%arg6 : memref<16x1024xf32, #tpu.memory_space<vmem>>) target(%dma_start3A_308 : memref<16x1024xf32, #tpu.memory_space<hbm>>) target_semaphore(%arg20 : memref<!tpu.dma_semaphore, #tpu.memory_space<semaphore_mem>>)
    %dma_wait3A_309 = arith.constant 0 : i32
    %dma_wait3A_310 = tpu.memref_slice %arg4[%add3A_264, %dma_wait3A_309] : memref<16384x1024xf32, #tpu.memory_space<hbm>> -> memref<16x1024xf32, #tpu.memory_space<hbm>>
    %dma_wait3A_311 = arith.constant 0 : i32
    %dma_wait3A_312 = tpu.memref_slice %arg4[%add3A_264, %dma_wait3A_311] : memref<16384x1024xf32, #tpu.memory_space<hbm>> -> memref<16x1024xf32, #tpu.memory_space<hbm>>
    tpu.wait_dma2 semaphore(%arg25 : memref<!tpu.dma_semaphore, #tpu.memory_space<semaphore_mem>>) src(%arg11 : memref<16x1024xf32, #tpu.memory_space<vmem>>) dst(%dma_wait3A_312 : memref<16x1024xf32, #tpu.memory_space<hbm>>)
    %dma_start3A_313 = arith.constant 304 : i32
    %dma_start3A_314 = tpu.memref_slice %arg5[%dma_start3A_313] : memref<512xi32, #tpu.memory_space<vmem>> -> memref<16xi32, #tpu.memory_space<vmem>>
    %dma_start3A_315 = arith.constant 0 : i32
    %dma_start3A_316 = arith.constant 0 : i32
    %dma_start3A_317 = tpu.memref_slice %arg3[%dma_start3A_315, %dma_start3A_316] : memref<151936x1024xf32, #tpu.memory_space<hbm>> -> memref<151936x1024xf32, #tpu.memory_space<hbm>>
    tpu.enqueue_indirect_dma source(%dma_start3A_317 : memref<151936x1024xf32, #tpu.memory_space<hbm>>) target(%arg11 : memref<16x1024xf32, #tpu.memory_space<vmem>>) offsets(%dma_start3A_314 : memref<16xi32, #tpu.memory_space<vmem>>) semaphore(%arg18 : memref<!tpu.dma_semaphore, #tpu.memory_space<semaphore_mem>>)
    %dma_wait3A_318 = arith.constant 240 : i32
    %dma_wait3A_319 = tpu.memref_slice %arg5[%dma_wait3A_318] : memref<512xi32, #tpu.memory_space<vmem>> -> memref<16xi32, #tpu.memory_space<vmem>>
    %dma_wait3A_320 = arith.constant 0 : i32
    %dma_wait3A_321 = arith.constant 0 : i32
    %dma_wait3A_322 = tpu.memref_slice %arg3[%dma_wait3A_320, %dma_wait3A_321] : memref<151936x1024xf32, #tpu.memory_space<hbm>> -> memref<151936x1024xf32, #tpu.memory_space<hbm>>
    tpu.wait_indirect_dma semaphore(%arg14 : memref<!tpu.dma_semaphore, #tpu.memory_space<semaphore_mem>>) src(%dma_wait3A_322 : memref<151936x1024xf32, #tpu.memory_space<hbm>>) dst(%arg7 : memref<16x1024xf32, #tpu.memory_space<vmem>>)
    %add3A_323 = arith.constant 240 : i32
    %add3A_324 = arith.addi %mul3A_2, %add3A_323 : i32
    %dma_start3A_325 = arith.constant 0 : i32
    %dma_start3A_326 = tpu.memref_slice %arg4[%add3A_324, %dma_start3A_325] : memref<16384x1024xf32, #tpu.memory_space<hbm>> -> memref<16x1024xf32, #tpu.memory_space<hbm>>
    %dma_start3A_327 = arith.constant 0 : i32
    %dma_start3A_328 = tpu.memref_slice %arg4[%add3A_324, %dma_start3A_327] : memref<16384x1024xf32, #tpu.memory_space<hbm>> -> memref<16x1024xf32, #tpu.memory_space<hbm>>
    tpu.enqueue_dma source(%arg7 : memref<16x1024xf32, #tpu.memory_space<vmem>>) target(%dma_start3A_328 : memref<16x1024xf32, #tpu.memory_space<hbm>>) target_semaphore(%arg21 : memref<!tpu.dma_semaphore, #tpu.memory_space<semaphore_mem>>)
    %dma_wait3A_329 = arith.constant 0 : i32
    %dma_wait3A_330 = tpu.memref_slice %arg4[%add3A_284, %dma_wait3A_329] : memref<16384x1024xf32, #tpu.memory_space<hbm>> -> memref<16x1024xf32, #tpu.memory_space<hbm>>
    %dma_wait3A_331 = arith.constant 0 : i32
    %dma_wait3A_332 = tpu.memref_slice %arg4[%add3A_284, %dma_wait3A_331] : memref<16384x1024xf32, #tpu.memory_space<hbm>> -> memref<16x1024xf32, #tpu.memory_space<hbm>>
    tpu.wait_dma2 semaphore(%arg26 : memref<!tpu.dma_semaphore, #tpu.memory_space<semaphore_mem>>) src(%arg12 : memref<16x1024xf32, #tpu.memory_space<vmem>>) dst(%dma_wait3A_332 : memref<16x1024xf32, #tpu.memory_space<hbm>>)
    %dma_start3A_333 = arith.constant 320 : i32
    %dma_start3A_334 = tpu.memref_slice %arg5[%dma_start3A_333] : memref<512xi32, #tpu.memory_space<vmem>> -> memref<16xi32, #tpu.memory_space<vmem>>
    %dma_start3A_335 = arith.constant 0 : i32
    %dma_start3A_336 = arith.constant 0 : i32
    %dma_start3A_337 = tpu.memref_slice %arg3[%dma_start3A_335, %dma_start3A_336] : memref<151936x1024xf32, #tpu.memory_space<hbm>> -> memref<151936x1024xf32, #tpu.memory_space<hbm>>
    tpu.enqueue_indirect_dma source(%dma_start3A_337 : memref<151936x1024xf32, #tpu.memory_space<hbm>>) target(%arg12 : memref<16x1024xf32, #tpu.memory_space<vmem>>) offsets(%dma_start3A_334 : memref<16xi32, #tpu.memory_space<vmem>>) semaphore(%arg19 : memref<!tpu.dma_semaphore, #tpu.memory_space<semaphore_mem>>)
    %dma_wait3A_338 = arith.constant 256 : i32
    %dma_wait3A_339 = tpu.memref_slice %arg5[%dma_wait3A_338] : memref<512xi32, #tpu.memory_space<vmem>> -> memref<16xi32, #tpu.memory_space<vmem>>
    %dma_wait3A_340 = arith.constant 0 : i32
    %dma_wait3A_341 = arith.constant 0 : i32
    %dma_wait3A_342 = tpu.memref_slice %arg3[%dma_wait3A_340, %dma_wait3A_341] : memref<151936x1024xf32, #tpu.memory_space<hbm>> -> memref<151936x1024xf32, #tpu.memory_space<hbm>>
    tpu.wait_indirect_dma semaphore(%arg15 : memref<!tpu.dma_semaphore, #tpu.memory_space<semaphore_mem>>) src(%dma_wait3A_342 : memref<151936x1024xf32, #tpu.memory_space<hbm>>) dst(%arg8 : memref<16x1024xf32, #tpu.memory_space<vmem>>)
    %add3A_343 = arith.constant 256 : i32
    %add3A_344 = arith.addi %mul3A_2, %add3A_343 : i32
    %dma_start3A_345 = arith.constant 0 : i32
    %dma_start3A_346 = tpu.memref_slice %arg4[%add3A_344, %dma_start3A_345] : memref<16384x1024xf32, #tpu.memory_space<hbm>> -> memref<16x1024xf32, #tpu.memory_space<hbm>>
    %dma_start3A_347 = arith.constant 0 : i32
    %dma_start3A_348 = tpu.memref_slice %arg4[%add3A_344, %dma_start3A_347] : memref<16384x1024xf32, #tpu.memory_space<hbm>> -> memref<16x1024xf32, #tpu.memory_space<hbm>>
    tpu.enqueue_dma source(%arg8 : memref<16x1024xf32, #tpu.memory_space<vmem>>) target(%dma_start3A_348 : memref<16x1024xf32, #tpu.memory_space<hbm>>) target_semaphore(%arg22 : memref<!tpu.dma_semaphore, #tpu.memory_space<semaphore_mem>>)
    %dma_wait3A_349 = arith.constant 0 : i32
    %dma_wait3A_350 = tpu.memref_slice %arg4[%add3A_304, %dma_wait3A_349] : memref<16384x1024xf32, #tpu.memory_space<hbm>> -> memref<16x1024xf32, #tpu.memory_space<hbm>>
    %dma_wait3A_351 = arith.constant 0 : i32
    %dma_wait3A_352 = tpu.memref_slice %arg4[%add3A_304, %dma_wait3A_351] : memref<16384x1024xf32, #tpu.memory_space<hbm>> -> memref<16x1024xf32, #tpu.memory_space<hbm>>
    tpu.wait_dma2 semaphore(%arg20 : memref<!tpu.dma_semaphore, #tpu.memory_space<semaphore_mem>>) src(%arg6 : memref<16x1024xf32, #tpu.memory_space<vmem>>) dst(%dma_wait3A_352 : memref<16x1024xf32, #tpu.memory_space<hbm>>)
    %dma_start3A_353 = arith.constant 336 : i32
    %dma_start3A_354 = tpu.memref_slice %arg5[%dma_start3A_353] : memref<512xi32, #tpu.memory_space<vmem>> -> memref<16xi32, #tpu.memory_space<vmem>>
    %dma_start3A_355 = arith.constant 0 : i32
    %dma_start3A_356 = arith.constant 0 : i32
    %dma_start3A_357 = tpu.memref_slice %arg3[%dma_start3A_355, %dma_start3A_356] : memref<151936x1024xf32, #tpu.memory_space<hbm>> -> memref<151936x1024xf32, #tpu.memory_space<hbm>>
    tpu.enqueue_indirect_dma source(%dma_start3A_357 : memref<151936x1024xf32, #tpu.memory_space<hbm>>) target(%arg6 : memref<16x1024xf32, #tpu.memory_space<vmem>>) offsets(%dma_start3A_354 : memref<16xi32, #tpu.memory_space<vmem>>) semaphore(%arg13 : memref<!tpu.dma_semaphore, #tpu.memory_space<semaphore_mem>>)
    %dma_wait3A_358 = arith.constant 272 : i32
    %dma_wait3A_359 = tpu.memref_slice %arg5[%dma_wait3A_358] : memref<512xi32, #tpu.memory_space<vmem>> -> memref<16xi32, #tpu.memory_space<vmem>>
    %dma_wait3A_360 = arith.constant 0 : i32
    %dma_wait3A_361 = arith.constant 0 : i32
    %dma_wait3A_362 = tpu.memref_slice %arg3[%dma_wait3A_360, %dma_wait3A_361] : memref<151936x1024xf32, #tpu.memory_space<hbm>> -> memref<151936x1024xf32, #tpu.memory_space<hbm>>
    tpu.wait_indirect_dma semaphore(%arg16 : memref<!tpu.dma_semaphore, #tpu.memory_space<semaphore_mem>>) src(%dma_wait3A_362 : memref<151936x1024xf32, #tpu.memory_space<hbm>>) dst(%arg9 : memref<16x1024xf32, #tpu.memory_space<vmem>>)
    %add3A_363 = arith.constant 272 : i32
    %add3A_364 = arith.addi %mul3A_2, %add3A_363 : i32
    %dma_start3A_365 = arith.constant 0 : i32
    %dma_start3A_366 = tpu.memref_slice %arg4[%add3A_364, %dma_start3A_365] : memref<16384x1024xf32, #tpu.memory_space<hbm>> -> memref<16x1024xf32, #tpu.memory_space<hbm>>
    %dma_start3A_367 = arith.constant 0 : i32
    %dma_start3A_368 = tpu.memref_slice %arg4[%add3A_364, %dma_start3A_367] : memref<16384x1024xf32, #tpu.memory_space<hbm>> -> memref<16x1024xf32, #tpu.memory_space<hbm>>
    tpu.enqueue_dma source(%arg9 : memref<16x1024xf32, #tpu.memory_space<vmem>>) target(%dma_start3A_368 : memref<16x1024xf32, #tpu.memory_space<hbm>>) target_semaphore(%arg23 : memref<!tpu.dma_semaphore, #tpu.memory_space<semaphore_mem>>)
    %dma_wait3A_369 = arith.constant 0 : i32
    %dma_wait3A_370 = tpu.memref_slice %arg4[%add3A_324, %dma_wait3A_369] : memref<16384x1024xf32, #tpu.memory_space<hbm>> -> memref<16x1024xf32, #tpu.memory_space<hbm>>
    %dma_wait3A_371 = arith.constant 0 : i32
    %dma_wait3A_372 = tpu.memref_slice %arg4[%add3A_324, %dma_wait3A_371] : memref<16384x1024xf32, #tpu.memory_space<hbm>> -> memref<16x1024xf32, #tpu.memory_space<hbm>>
    tpu.wait_dma2 semaphore(%arg21 : memref<!tpu.dma_semaphore, #tpu.memory_space<semaphore_mem>>) src(%arg7 : memref<16x1024xf32, #tpu.memory_space<vmem>>) dst(%dma_wait3A_372 : memref<16x1024xf32, #tpu.memory_space<hbm>>)
    %dma_start3A_373 = arith.constant 352 : i32
    %dma_start3A_374 = tpu.memref_slice %arg5[%dma_start3A_373] : memref<512xi32, #tpu.memory_space<vmem>> -> memref<16xi32, #tpu.memory_space<vmem>>
    %dma_start3A_375 = arith.constant 0 : i32
    %dma_start3A_376 = arith.constant 0 : i32
    %dma_start3A_377 = tpu.memref_slice %arg3[%dma_start3A_375, %dma_start3A_376] : memref<151936x1024xf32, #tpu.memory_space<hbm>> -> memref<151936x1024xf32, #tpu.memory_space<hbm>>
    tpu.enqueue_indirect_dma source(%dma_start3A_377 : memref<151936x1024xf32, #tpu.memory_space<hbm>>) target(%arg7 : memref<16x1024xf32, #tpu.memory_space<vmem>>) offsets(%dma_start3A_374 : memref<16xi32, #tpu.memory_space<vmem>>) semaphore(%arg14 : memref<!tpu.dma_semaphore, #tpu.memory_space<semaphore_mem>>)
    %dma_wait3A_378 = arith.constant 288 : i32
    %dma_wait3A_379 = tpu.memref_slice %arg5[%dma_wait3A_378] : memref<512xi32, #tpu.memory_space<vmem>> -> memref<16xi32, #tpu.memory_space<vmem>>
    %dma_wait3A_380 = arith.constant 0 : i32
    %dma_wait3A_381 = arith.constant 0 : i32
    %dma_wait3A_382 = tpu.memref_slice %arg3[%dma_wait3A_380, %dma_wait3A_381] : memref<151936x1024xf32, #tpu.memory_space<hbm>> -> memref<151936x1024xf32, #tpu.memory_space<hbm>>
    tpu.wait_indirect_dma semaphore(%arg17 : memref<!tpu.dma_semaphore, #tpu.memory_space<semaphore_mem>>) src(%dma_wait3A_382 : memref<151936x1024xf32, #tpu.memory_space<hbm>>) dst(%arg10 : memref<16x1024xf32, #tpu.memory_space<vmem>>)
    %add3A_383 = arith.constant 288 : i32
    %add3A_384 = arith.addi %mul3A_2, %add3A_383 : i32
    %dma_start3A_385 = arith.constant 0 : i32
    %dma_start3A_386 = tpu.memref_slice %arg4[%add3A_384, %dma_start3A_385] : memref<16384x1024xf32, #tpu.memory_space<hbm>> -> memref<16x1024xf32, #tpu.memory_space<hbm>>
    %dma_start3A_387 = arith.constant 0 : i32
    %dma_start3A_388 = tpu.memref_slice %arg4[%add3A_384, %dma_start3A_387] : memref<16384x1024xf32, #tpu.memory_space<hbm>> -> memref<16x1024xf32, #tpu.memory_space<hbm>>
    tpu.enqueue_dma source(%arg10 : memref<16x1024xf32, #tpu.memory_space<vmem>>) target(%dma_start3A_388 : memref<16x1024xf32, #tpu.memory_space<hbm>>) target_semaphore(%arg24 : memref<!tpu.dma_semaphore, #tpu.memory_space<semaphore_mem>>)
    %dma_wait3A_389 = arith.constant 0 : i32
    %dma_wait3A_390 = tpu.memref_slice %arg4[%add3A_344, %dma_wait3A_389] : memref<16384x1024xf32, #tpu.memory_space<hbm>> -> memref<16x1024xf32, #tpu.memory_space<hbm>>
    %dma_wait3A_391 = arith.constant 0 : i32
    %dma_wait3A_392 = tpu.memref_slice %arg4[%add3A_344, %dma_wait3A_391] : memref<16384x1024xf32, #tpu.memory_space<hbm>> -> memref<16x1024xf32, #tpu.memory_space<hbm>>
    tpu.wait_dma2 semaphore(%arg22 : memref<!tpu.dma_semaphore, #tpu.memory_space<semaphore_mem>>) src(%arg8 : memref<16x1024xf32, #tpu.memory_space<vmem>>) dst(%dma_wait3A_392 : memref<16x1024xf32, #tpu.memory_space<hbm>>)
    %dma_start3A_393 = arith.constant 368 : i32
    %dma_start3A_394 = tpu.memref_slice %arg5[%dma_start3A_393] : memref<512xi32, #tpu.memory_space<vmem>> -> memref<16xi32, #tpu.memory_space<vmem>>
    %dma_start3A_395 = arith.constant 0 : i32
    %dma_start3A_396 = arith.constant 0 : i32
    %dma_start3A_397 = tpu.memref_slice %arg3[%dma_start3A_395, %dma_start3A_396] : memref<151936x1024xf32, #tpu.memory_space<hbm>> -> memref<151936x1024xf32, #tpu.memory_space<hbm>>
    tpu.enqueue_indirect_dma source(%dma_start3A_397 : memref<151936x1024xf32, #tpu.memory_space<hbm>>) target(%arg8 : memref<16x1024xf32, #tpu.memory_space<vmem>>) offsets(%dma_start3A_394 : memref<16xi32, #tpu.memory_space<vmem>>) semaphore(%arg15 : memref<!tpu.dma_semaphore, #tpu.memory_space<semaphore_mem>>)
    %dma_wait3A_398 = arith.constant 304 : i32
    %dma_wait3A_399 = tpu.memref_slice %arg5[%dma_wait3A_398] : memref<512xi32, #tpu.memory_space<vmem>> -> memref<16xi32, #tpu.memory_space<vmem>>
    %dma_wait3A_400 = arith.constant 0 : i32
    %dma_wait3A_401 = arith.constant 0 : i32
    %dma_wait3A_402 = tpu.memref_slice %arg3[%dma_wait3A_400, %dma_wait3A_401] : memref<151936x1024xf32, #tpu.memory_space<hbm>> -> memref<151936x1024xf32, #tpu.memory_space<hbm>>
    tpu.wait_indirect_dma semaphore(%arg18 : memref<!tpu.dma_semaphore, #tpu.memory_space<semaphore_mem>>) src(%dma_wait3A_402 : memref<151936x1024xf32, #tpu.memory_space<hbm>>) dst(%arg11 : memref<16x1024xf32, #tpu.memory_space<vmem>>)
    %add3A_403 = arith.constant 304 : i32
    %add3A_404 = arith.addi %mul3A_2, %add3A_403 : i32
    %dma_start3A_405 = arith.constant 0 : i32
    %dma_start3A_406 = tpu.memref_slice %arg4[%add3A_404, %dma_start3A_405] : memref<16384x1024xf32, #tpu.memory_space<hbm>> -> memref<16x1024xf32, #tpu.memory_space<hbm>>
    %dma_start3A_407 = arith.constant 0 : i32
    %dma_start3A_408 = tpu.memref_slice %arg4[%add3A_404, %dma_start3A_407] : memref<16384x1024xf32, #tpu.memory_space<hbm>> -> memref<16x1024xf32, #tpu.memory_space<hbm>>
    tpu.enqueue_dma source(%arg11 : memref<16x1024xf32, #tpu.memory_space<vmem>>) target(%dma_start3A_408 : memref<16x1024xf32, #tpu.memory_space<hbm>>) target_semaphore(%arg25 : memref<!tpu.dma_semaphore, #tpu.memory_space<semaphore_mem>>)
    %dma_wait3A_409 = arith.constant 0 : i32
    %dma_wait3A_410 = tpu.memref_slice %arg4[%add3A_364, %dma_wait3A_409] : memref<16384x1024xf32, #tpu.memory_space<hbm>> -> memref<16x1024xf32, #tpu.memory_space<hbm>>
    %dma_wait3A_411 = arith.constant 0 : i32
    %dma_wait3A_412 = tpu.memref_slice %arg4[%add3A_364, %dma_wait3A_411] : memref<16384x1024xf32, #tpu.memory_space<hbm>> -> memref<16x1024xf32, #tpu.memory_space<hbm>>
    tpu.wait_dma2 semaphore(%arg23 : memref<!tpu.dma_semaphore, #tpu.memory_space<semaphore_mem>>) src(%arg9 : memref<16x1024xf32, #tpu.memory_space<vmem>>) dst(%dma_wait3A_412 : memref<16x1024xf32, #tpu.memory_space<hbm>>)
    %dma_start3A_413 = arith.constant 384 : i32
    %dma_start3A_414 = tpu.memref_slice %arg5[%dma_start3A_413] : memref<512xi32, #tpu.memory_space<vmem>> -> memref<16xi32, #tpu.memory_space<vmem>>
    %dma_start3A_415 = arith.constant 0 : i32
    %dma_start3A_416 = arith.constant 0 : i32
    %dma_start3A_417 = tpu.memref_slice %arg3[%dma_start3A_415, %dma_start3A_416] : memref<151936x1024xf32, #tpu.memory_space<hbm>> -> memref<151936x1024xf32, #tpu.memory_space<hbm>>
    tpu.enqueue_indirect_dma source(%dma_start3A_417 : memref<151936x1024xf32, #tpu.memory_space<hbm>>) target(%arg9 : memref<16x1024xf32, #tpu.memory_space<vmem>>) offsets(%dma_start3A_414 : memref<16xi32, #tpu.memory_space<vmem>>) semaphore(%arg16 : memref<!tpu.dma_semaphore, #tpu.memory_space<semaphore_mem>>)
    %dma_wait3A_418 = arith.constant 320 : i32
    %dma_wait3A_419 = tpu.memref_slice %arg5[%dma_wait3A_418] : memref<512xi32, #tpu.memory_space<vmem>> -> memref<16xi32, #tpu.memory_space<vmem>>
    %dma_wait3A_420 = arith.constant 0 : i32
    %dma_wait3A_421 = arith.constant 0 : i32
    %dma_wait3A_422 = tpu.memref_slice %arg3[%dma_wait3A_420, %dma_wait3A_421] : memref<151936x1024xf32, #tpu.memory_space<hbm>> -> memref<151936x1024xf32, #tpu.memory_space<hbm>>
    tpu.wait_indirect_dma semaphore(%arg19 : memref<!tpu.dma_semaphore, #tpu.memory_space<semaphore_mem>>) src(%dma_wait3A_422 : memref<151936x1024xf32, #tpu.memory_space<hbm>>) dst(%arg12 : memref<16x1024xf32, #tpu.memory_space<vmem>>)
    %add3A_423 = arith.constant 320 : i32
    %add3A_424 = arith.addi %mul3A_2, %add3A_423 : i32
    %dma_start3A_425 = arith.constant 0 : i32
    %dma_start3A_426 = tpu.memref_slice %arg4[%add3A_424, %dma_start3A_425] : memref<16384x1024xf32, #tpu.memory_space<hbm>> -> memref<16x1024xf32, #tpu.memory_space<hbm>>
    %dma_start3A_427 = arith.constant 0 : i32
    %dma_start3A_428 = tpu.memref_slice %arg4[%add3A_424, %dma_start3A_427] : memref<16384x1024xf32, #tpu.memory_space<hbm>> -> memref<16x1024xf32, #tpu.memory_space<hbm>>
    tpu.enqueue_dma source(%arg12 : memref<16x1024xf32, #tpu.memory_space<vmem>>) target(%dma_start3A_428 : memref<16x1024xf32, #tpu.memory_space<hbm>>) target_semaphore(%arg26 : memref<!tpu.dma_semaphore, #tpu.memory_space<semaphore_mem>>)
    %dma_wait3A_429 = arith.constant 0 : i32
    %dma_wait3A_430 = tpu.memref_slice %arg4[%add3A_384, %dma_wait3A_429] : memref<16384x1024xf32, #tpu.memory_space<hbm>> -> memref<16x1024xf32, #tpu.memory_space<hbm>>
    %dma_wait3A_431 = arith.constant 0 : i32
    %dma_wait3A_432 = tpu.memref_slice %arg4[%add3A_384, %dma_wait3A_431] : memref<16384x1024xf32, #tpu.memory_space<hbm>> -> memref<16x1024xf32, #tpu.memory_space<hbm>>
    tpu.wait_dma2 semaphore(%arg24 : memref<!tpu.dma_semaphore, #tpu.memory_space<semaphore_mem>>) src(%arg10 : memref<16x1024xf32, #tpu.memory_space<vmem>>) dst(%dma_wait3A_432 : memref<16x1024xf32, #tpu.memory_space<hbm>>)
    %dma_start3A_433 = arith.constant 400 : i32
    %dma_start3A_434 = tpu.memref_slice %arg5[%dma_start3A_433] : memref<512xi32, #tpu.memory_space<vmem>> -> memref<16xi32, #tpu.memory_space<vmem>>
    %dma_start3A_435 = arith.constant 0 : i32
    %dma_start3A_436 = arith.constant 0 : i32
    %dma_start3A_437 = tpu.memref_slice %arg3[%dma_start3A_435, %dma_start3A_436] : memref<151936x1024xf32, #tpu.memory_space<hbm>> -> memref<151936x1024xf32, #tpu.memory_space<hbm>>
    tpu.enqueue_indirect_dma source(%dma_start3A_437 : memref<151936x1024xf32, #tpu.memory_space<hbm>>) target(%arg10 : memref<16x1024xf32, #tpu.memory_space<vmem>>) offsets(%dma_start3A_434 : memref<16xi32, #tpu.memory_space<vmem>>) semaphore(%arg17 : memref<!tpu.dma_semaphore, #tpu.memory_space<semaphore_mem>>)
    %dma_wait3A_438 = arith.constant 336 : i32
    %dma_wait3A_439 = tpu.memref_slice %arg5[%dma_wait3A_438] : memref<512xi32, #tpu.memory_space<vmem>> -> memref<16xi32, #tpu.memory_space<vmem>>
    %dma_wait3A_440 = arith.constant 0 : i32
    %dma_wait3A_441 = arith.constant 0 : i32
    %dma_wait3A_442 = tpu.memref_slice %arg3[%dma_wait3A_440, %dma_wait3A_441] : memref<151936x1024xf32, #tpu.memory_space<hbm>> -> memref<151936x1024xf32, #tpu.memory_space<hbm>>
    tpu.wait_indirect_dma semaphore(%arg13 : memref<!tpu.dma_semaphore, #tpu.memory_space<semaphore_mem>>) src(%dma_wait3A_442 : memref<151936x1024xf32, #tpu.memory_space<hbm>>) dst(%arg6 : memref<16x1024xf32, #tpu.memory_space<vmem>>)
    %add3A_443 = arith.constant 336 : i32
    %add3A_444 = arith.addi %mul3A_2, %add3A_443 : i32
    %dma_start3A_445 = arith.constant 0 : i32
    %dma_start3A_446 = tpu.memref_slice %arg4[%add3A_444, %dma_start3A_445] : memref<16384x1024xf32, #tpu.memory_space<hbm>> -> memref<16x1024xf32, #tpu.memory_space<hbm>>
    %dma_start3A_447 = arith.constant 0 : i32
    %dma_start3A_448 = tpu.memref_slice %arg4[%add3A_444, %dma_start3A_447] : memref<16384x1024xf32, #tpu.memory_space<hbm>> -> memref<16x1024xf32, #tpu.memory_space<hbm>>
    tpu.enqueue_dma source(%arg6 : memref<16x1024xf32, #tpu.memory_space<vmem>>) target(%dma_start3A_448 : memref<16x1024xf32, #tpu.memory_space<hbm>>) target_semaphore(%arg20 : memref<!tpu.dma_semaphore, #tpu.memory_space<semaphore_mem>>)
    %dma_wait3A_449 = arith.constant 0 : i32
    %dma_wait3A_450 = tpu.memref_slice %arg4[%add3A_404, %dma_wait3A_449] : memref<16384x1024xf32, #tpu.memory_space<hbm>> -> memref<16x1024xf32, #tpu.memory_space<hbm>>
    %dma_wait3A_451 = arith.constant 0 : i32
    %dma_wait3A_452 = tpu.memref_slice %arg4[%add3A_404, %dma_wait3A_451] : memref<16384x1024xf32, #tpu.memory_space<hbm>> -> memref<16x1024xf32, #tpu.memory_space<hbm>>
    tpu.wait_dma2 semaphore(%arg25 : memref<!tpu.dma_semaphore, #tpu.memory_space<semaphore_mem>>) src(%arg11 : memref<16x1024xf32, #tpu.memory_space<vmem>>) dst(%dma_wait3A_452 : memref<16x1024xf32, #tpu.memory_space<hbm>>)
    %dma_start3A_453 = arith.constant 416 : i32
    %dma_start3A_454 = tpu.memref_slice %arg5[%dma_start3A_453] : memref<512xi32, #tpu.memory_space<vmem>> -> memref<16xi32, #tpu.memory_space<vmem>>
    %dma_start3A_455 = arith.constant 0 : i32
    %dma_start3A_456 = arith.constant 0 : i32
    %dma_start3A_457 = tpu.memref_slice %arg3[%dma_start3A_455, %dma_start3A_456] : memref<151936x1024xf32, #tpu.memory_space<hbm>> -> memref<151936x1024xf32, #tpu.memory_space<hbm>>
    tpu.enqueue_indirect_dma source(%dma_start3A_457 : memref<151936x1024xf32, #tpu.memory_space<hbm>>) target(%arg11 : memref<16x1024xf32, #tpu.memory_space<vmem>>) offsets(%dma_start3A_454 : memref<16xi32, #tpu.memory_space<vmem>>) semaphore(%arg18 : memref<!tpu.dma_semaphore, #tpu.memory_space<semaphore_mem>>)
    %dma_wait3A_458 = arith.constant 352 : i32
    %dma_wait3A_459 = tpu.memref_slice %arg5[%dma_wait3A_458] : memref<512xi32, #tpu.memory_space<vmem>> -> memref<16xi32, #tpu.memory_space<vmem>>
    %dma_wait3A_460 = arith.constant 0 : i32
    %dma_wait3A_461 = arith.constant 0 : i32
    %dma_wait3A_462 = tpu.memref_slice %arg3[%dma_wait3A_460, %dma_wait3A_461] : memref<151936x1024xf32, #tpu.memory_space<hbm>> -> memref<151936x1024xf32, #tpu.memory_space<hbm>>
    tpu.wait_indirect_dma semaphore(%arg14 : memref<!tpu.dma_semaphore, #tpu.memory_space<semaphore_mem>>) src(%dma_wait3A_462 : memref<151936x1024xf32, #tpu.memory_space<hbm>>) dst(%arg7 : memref<16x1024xf32, #tpu.memory_space<vmem>>)
    %add3A_463 = arith.constant 352 : i32
    %add3A_464 = arith.addi %mul3A_2, %add3A_463 : i32
    %dma_start3A_465 = arith.constant 0 : i32
    %dma_start3A_466 = tpu.memref_slice %arg4[%add3A_464, %dma_start3A_465] : memref<16384x1024xf32, #tpu.memory_space<hbm>> -> memref<16x1024xf32, #tpu.memory_space<hbm>>
    %dma_start3A_467 = arith.constant 0 : i32
    %dma_start3A_468 = tpu.memref_slice %arg4[%add3A_464, %dma_start3A_467] : memref<16384x1024xf32, #tpu.memory_space<hbm>> -> memref<16x1024xf32, #tpu.memory_space<hbm>>
    tpu.enqueue_dma source(%arg7 : memref<16x1024xf32, #tpu.memory_space<vmem>>) target(%dma_start3A_468 : memref<16x1024xf32, #tpu.memory_space<hbm>>) target_semaphore(%arg21 : memref<!tpu.dma_semaphore, #tpu.memory_space<semaphore_mem>>)
    %dma_wait3A_469 = arith.constant 0 : i32
    %dma_wait3A_470 = tpu.memref_slice %arg4[%add3A_424, %dma_wait3A_469] : memref<16384x1024xf32, #tpu.memory_space<hbm>> -> memref<16x1024xf32, #tpu.memory_space<hbm>>
    %dma_wait3A_471 = arith.constant 0 : i32
    %dma_wait3A_472 = tpu.memref_slice %arg4[%add3A_424, %dma_wait3A_471] : memref<16384x1024xf32, #tpu.memory_space<hbm>> -> memref<16x1024xf32, #tpu.memory_space<hbm>>
    tpu.wait_dma2 semaphore(%arg26 : memref<!tpu.dma_semaphore, #tpu.memory_space<semaphore_mem>>) src(%arg12 : memref<16x1024xf32, #tpu.memory_space<vmem>>) dst(%dma_wait3A_472 : memref<16x1024xf32, #tpu.memory_space<hbm>>)
    %dma_start3A_473 = arith.constant 432 : i32
    %dma_start3A_474 = tpu.memref_slice %arg5[%dma_start3A_473] : memref<512xi32, #tpu.memory_space<vmem>> -> memref<16xi32, #tpu.memory_space<vmem>>
    %dma_start3A_475 = arith.constant 0 : i32
    %dma_start3A_476 = arith.constant 0 : i32
    %dma_start3A_477 = tpu.memref_slice %arg3[%dma_start3A_475, %dma_start3A_476] : memref<151936x1024xf32, #tpu.memory_space<hbm>> -> memref<151936x1024xf32, #tpu.memory_space<hbm>>
    tpu.enqueue_indirect_dma source(%dma_start3A_477 : memref<151936x1024xf32, #tpu.memory_space<hbm>>) target(%arg12 : memref<16x1024xf32, #tpu.memory_space<vmem>>) offsets(%dma_start3A_474 : memref<16xi32, #tpu.memory_space<vmem>>) semaphore(%arg19 : memref<!tpu.dma_semaphore, #tpu.memory_space<semaphore_mem>>)
    %dma_wait3A_478 = arith.constant 368 : i32
    %dma_wait3A_479 = tpu.memref_slice %arg5[%dma_wait3A_478] : memref<512xi32, #tpu.memory_space<vmem>> -> memref<16xi32, #tpu.memory_space<vmem>>
    %dma_wait3A_480 = arith.constant 0 : i32
    %dma_wait3A_481 = arith.constant 0 : i32
    %dma_wait3A_482 = tpu.memref_slice %arg3[%dma_wait3A_480, %dma_wait3A_481] : memref<151936x1024xf32, #tpu.memory_space<hbm>> -> memref<151936x1024xf32, #tpu.memory_space<hbm>>
    tpu.wait_indirect_dma semaphore(%arg15 : memref<!tpu.dma_semaphore, #tpu.memory_space<semaphore_mem>>) src(%dma_wait3A_482 : memref<151936x1024xf32, #tpu.memory_space<hbm>>) dst(%arg8 : memref<16x1024xf32, #tpu.memory_space<vmem>>)
    %add3A_483 = arith.constant 368 : i32
    %add3A_484 = arith.addi %mul3A_2, %add3A_483 : i32
    %dma_start3A_485 = arith.constant 0 : i32
    %dma_start3A_486 = tpu.memref_slice %arg4[%add3A_484, %dma_start3A_485] : memref<16384x1024xf32, #tpu.memory_space<hbm>> -> memref<16x1024xf32, #tpu.memory_space<hbm>>
    %dma_start3A_487 = arith.constant 0 : i32
    %dma_start3A_488 = tpu.memref_slice %arg4[%add3A_484, %dma_start3A_487] : memref<16384x1024xf32, #tpu.memory_space<hbm>> -> memref<16x1024xf32, #tpu.memory_space<hbm>>
    tpu.enqueue_dma source(%arg8 : memref<16x1024xf32, #tpu.memory_space<vmem>>) target(%dma_start3A_488 : memref<16x1024xf32, #tpu.memory_space<hbm>>) target_semaphore(%arg22 : memref<!tpu.dma_semaphore, #tpu.memory_space<semaphore_mem>>)
    %dma_wait3A_489 = arith.constant 0 : i32
    %dma_wait3A_490 = tpu.memref_slice %arg4[%add3A_444, %dma_wait3A_489] : memref<16384x1024xf32, #tpu.memory_space<hbm>> -> memref<16x1024xf32, #tpu.memory_space<hbm>>
    %dma_wait3A_491 = arith.constant 0 : i32
    %dma_wait3A_492 = tpu.memref_slice %arg4[%add3A_444, %dma_wait3A_491] : memref<16384x1024xf32, #tpu.memory_space<hbm>> -> memref<16x1024xf32, #tpu.memory_space<hbm>>
    tpu.wait_dma2 semaphore(%arg20 : memref<!tpu.dma_semaphore, #tpu.memory_space<semaphore_mem>>) src(%arg6 : memref<16x1024xf32, #tpu.memory_space<vmem>>) dst(%dma_wait3A_492 : memref<16x1024xf32, #tpu.memory_space<hbm>>)
    %dma_start3A_493 = arith.constant 448 : i32
    %dma_start3A_494 = tpu.memref_slice %arg5[%dma_start3A_493] : memref<512xi32, #tpu.memory_space<vmem>> -> memref<16xi32, #tpu.memory_space<vmem>>
    %dma_start3A_495 = arith.constant 0 : i32
    %dma_start3A_496 = arith.constant 0 : i32
    %dma_start3A_497 = tpu.memref_slice %arg3[%dma_start3A_495, %dma_start3A_496] : memref<151936x1024xf32, #tpu.memory_space<hbm>> -> memref<151936x1024xf32, #tpu.memory_space<hbm>>
    tpu.enqueue_indirect_dma source(%dma_start3A_497 : memref<151936x1024xf32, #tpu.memory_space<hbm>>) target(%arg6 : memref<16x1024xf32, #tpu.memory_space<vmem>>) offsets(%dma_start3A_494 : memref<16xi32, #tpu.memory_space<vmem>>) semaphore(%arg13 : memref<!tpu.dma_semaphore, #tpu.memory_space<semaphore_mem>>)
    %dma_wait3A_498 = arith.constant 384 : i32
    %dma_wait3A_499 = tpu.memref_slice %arg5[%dma_wait3A_498] : memref<512xi32, #tpu.memory_space<vmem>> -> memref<16xi32, #tpu.memory_space<vmem>>
    %dma_wait3A_500 = arith.constant 0 : i32
    %dma_wait3A_501 = arith.constant 0 : i32
    %dma_wait3A_502 = tpu.memref_slice %arg3[%dma_wait3A_500, %dma_wait3A_501] : memref<151936x1024xf32, #tpu.memory_space<hbm>> -> memref<151936x1024xf32, #tpu.memory_space<hbm>>
    tpu.wait_indirect_dma semaphore(%arg16 : memref<!tpu.dma_semaphore, #tpu.memory_space<semaphore_mem>>) src(%dma_wait3A_502 : memref<151936x1024xf32, #tpu.memory_space<hbm>>) dst(%arg9 : memref<16x1024xf32, #tpu.memory_space<vmem>>)
    %add3A_503 = arith.constant 384 : i32
    %add3A_504 = arith.addi %mul3A_2, %add3A_503 : i32
    %dma_start3A_505 = arith.constant 0 : i32
    %dma_start3A_506 = tpu.memref_slice %arg4[%add3A_504, %dma_start3A_505] : memref<16384x1024xf32, #tpu.memory_space<hbm>> -> memref<16x1024xf32, #tpu.memory_space<hbm>>
    %dma_start3A_507 = arith.constant 0 : i32
    %dma_start3A_508 = tpu.memref_slice %arg4[%add3A_504, %dma_start3A_507] : memref<16384x1024xf32, #tpu.memory_space<hbm>> -> memref<16x1024xf32, #tpu.memory_space<hbm>>
    tpu.enqueue_dma source(%arg9 : memref<16x1024xf32, #tpu.memory_space<vmem>>) target(%dma_start3A_508 : memref<16x1024xf32, #tpu.memory_space<hbm>>) target_semaphore(%arg23 : memref<!tpu.dma_semaphore, #tpu.memory_space<semaphore_mem>>)
    %dma_wait3A_509 = arith.constant 0 : i32
    %dma_wait3A_510 = tpu.memref_slice %arg4[%add3A_464, %dma_wait3A_509] : memref<16384x1024xf32, #tpu.memory_space<hbm>> -> memref<16x1024xf32, #tpu.memory_space<hbm>>
    %dma_wait3A_511 = arith.constant 0 : i32
    %dma_wait3A_512 = tpu.memref_slice %arg4[%add3A_464, %dma_wait3A_511] : memref<16384x1024xf32, #tpu.memory_space<hbm>> -> memref<16x1024xf32, #tpu.memory_space<hbm>>
    tpu.wait_dma2 semaphore(%arg21 : memref<!tpu.dma_semaphore, #tpu.memory_space<semaphore_mem>>) src(%arg7 : memref<16x1024xf32, #tpu.memory_space<vmem>>) dst(%dma_wait3A_512 : memref<16x1024xf32, #tpu.memory_space<hbm>>)
    %dma_start3A_513 = arith.constant 464 : i32
    %dma_start3A_514 = tpu.memref_slice %arg5[%dma_start3A_513] : memref<512xi32, #tpu.memory_space<vmem>> -> memref<16xi32, #tpu.memory_space<vmem>>
    %dma_start3A_515 = arith.constant 0 : i32
    %dma_start3A_516 = arith.constant 0 : i32
    %dma_start3A_517 = tpu.memref_slice %arg3[%dma_start3A_515, %dma_start3A_516] : memref<151936x1024xf32, #tpu.memory_space<hbm>> -> memref<151936x1024xf32, #tpu.memory_space<hbm>>
    tpu.enqueue_indirect_dma source(%dma_start3A_517 : memref<151936x1024xf32, #tpu.memory_space<hbm>>) target(%arg7 : memref<16x1024xf32, #tpu.memory_space<vmem>>) offsets(%dma_start3A_514 : memref<16xi32, #tpu.memory_space<vmem>>) semaphore(%arg14 : memref<!tpu.dma_semaphore, #tpu.memory_space<semaphore_mem>>)
    %dma_wait3A_518 = arith.constant 400 : i32
    %dma_wait3A_519 = tpu.memref_slice %arg5[%dma_wait3A_518] : memref<512xi32, #tpu.memory_space<vmem>> -> memref<16xi32, #tpu.memory_space<vmem>>
    %dma_wait3A_520 = arith.constant 0 : i32
    %dma_wait3A_521 = arith.constant 0 : i32
    %dma_wait3A_522 = tpu.memref_slice %arg3[%dma_wait3A_520, %dma_wait3A_521] : memref<151936x1024xf32, #tpu.memory_space<hbm>> -> memref<151936x1024xf32, #tpu.memory_space<hbm>>
    tpu.wait_indirect_dma semaphore(%arg17 : memref<!tpu.dma_semaphore, #tpu.memory_space<semaphore_mem>>) src(%dma_wait3A_522 : memref<151936x1024xf32, #tpu.memory_space<hbm>>) dst(%arg10 : memref<16x1024xf32, #tpu.memory_space<vmem>>)
    %add3A_523 = arith.constant 400 : i32
    %add3A_524 = arith.addi %mul3A_2, %add3A_523 : i32
    %dma_start3A_525 = arith.constant 0 : i32
    %dma_start3A_526 = tpu.memref_slice %arg4[%add3A_524, %dma_start3A_525] : memref<16384x1024xf32, #tpu.memory_space<hbm>> -> memref<16x1024xf32, #tpu.memory_space<hbm>>
    %dma_start3A_527 = arith.constant 0 : i32
    %dma_start3A_528 = tpu.memref_slice %arg4[%add3A_524, %dma_start3A_527] : memref<16384x1024xf32, #tpu.memory_space<hbm>> -> memref<16x1024xf32, #tpu.memory_space<hbm>>
    tpu.enqueue_dma source(%arg10 : memref<16x1024xf32, #tpu.memory_space<vmem>>) target(%dma_start3A_528 : memref<16x1024xf32, #tpu.memory_space<hbm>>) target_semaphore(%arg24 : memref<!tpu.dma_semaphore, #tpu.memory_space<semaphore_mem>>)
    %dma_wait3A_529 = arith.constant 0 : i32
    %dma_wait3A_530 = tpu.memref_slice %arg4[%add3A_484, %dma_wait3A_529] : memref<16384x1024xf32, #tpu.memory_space<hbm>> -> memref<16x1024xf32, #tpu.memory_space<hbm>>
    %dma_wait3A_531 = arith.constant 0 : i32
    %dma_wait3A_532 = tpu.memref_slice %arg4[%add3A_484, %dma_wait3A_531] : memref<16384x1024xf32, #tpu.memory_space<hbm>> -> memref<16x1024xf32, #tpu.memory_space<hbm>>
    tpu.wait_dma2 semaphore(%arg22 : memref<!tpu.dma_semaphore, #tpu.memory_space<semaphore_mem>>) src(%arg8 : memref<16x1024xf32, #tpu.memory_space<vmem>>) dst(%dma_wait3A_532 : memref<16x1024xf32, #tpu.memory_space<hbm>>)
    %dma_start3A_533 = arith.constant 480 : i32
    %dma_start3A_534 = tpu.memref_slice %arg5[%dma_start3A_533] : memref<512xi32, #tpu.memory_space<vmem>> -> memref<16xi32, #tpu.memory_space<vmem>>
    %dma_start3A_535 = arith.constant 0 : i32
    %dma_start3A_536 = arith.constant 0 : i32
    %dma_start3A_537 = tpu.memref_slice %arg3[%dma_start3A_535, %dma_start3A_536] : memref<151936x1024xf32, #tpu.memory_space<hbm>> -> memref<151936x1024xf32, #tpu.memory_space<hbm>>
    tpu.enqueue_indirect_dma source(%dma_start3A_537 : memref<151936x1024xf32, #tpu.memory_space<hbm>>) target(%arg8 : memref<16x1024xf32, #tpu.memory_space<vmem>>) offsets(%dma_start3A_534 : memref<16xi32, #tpu.memory_space<vmem>>) semaphore(%arg15 : memref<!tpu.dma_semaphore, #tpu.memory_space<semaphore_mem>>)
    %dma_wait3A_538 = arith.constant 416 : i32
    %dma_wait3A_539 = tpu.memref_slice %arg5[%dma_wait3A_538] : memref<512xi32, #tpu.memory_space<vmem>> -> memref<16xi32, #tpu.memory_space<vmem>>
    %dma_wait3A_540 = arith.constant 0 : i32
    %dma_wait3A_541 = arith.constant 0 : i32
    %dma_wait3A_542 = tpu.memref_slice %arg3[%dma_wait3A_540, %dma_wait3A_541] : memref<151936x1024xf32, #tpu.memory_space<hbm>> -> memref<151936x1024xf32, #tpu.memory_space<hbm>>
    tpu.wait_indirect_dma semaphore(%arg18 : memref<!tpu.dma_semaphore, #tpu.memory_space<semaphore_mem>>) src(%dma_wait3A_542 : memref<151936x1024xf32, #tpu.memory_space<hbm>>) dst(%arg11 : memref<16x1024xf32, #tpu.memory_space<vmem>>)
    %add3A_543 = arith.constant 416 : i32
    %add3A_544 = arith.addi %mul3A_2, %add3A_543 : i32
    %dma_start3A_545 = arith.constant 0 : i32
    %dma_start3A_546 = tpu.memref_slice %arg4[%add3A_544, %dma_start3A_545] : memref<16384x1024xf32, #tpu.memory_space<hbm>> -> memref<16x1024xf32, #tpu.memory_space<hbm>>
    %dma_start3A_547 = arith.constant 0 : i32
    %dma_start3A_548 = tpu.memref_slice %arg4[%add3A_544, %dma_start3A_547] : memref<16384x1024xf32, #tpu.memory_space<hbm>> -> memref<16x1024xf32, #tpu.memory_space<hbm>>
    tpu.enqueue_dma source(%arg11 : memref<16x1024xf32, #tpu.memory_space<vmem>>) target(%dma_start3A_548 : memref<16x1024xf32, #tpu.memory_space<hbm>>) target_semaphore(%arg25 : memref<!tpu.dma_semaphore, #tpu.memory_space<semaphore_mem>>)
    %dma_wait3A_549 = arith.constant 0 : i32
    %dma_wait3A_550 = tpu.memref_slice %arg4[%add3A_504, %dma_wait3A_549] : memref<16384x1024xf32, #tpu.memory_space<hbm>> -> memref<16x1024xf32, #tpu.memory_space<hbm>>
    %dma_wait3A_551 = arith.constant 0 : i32
    %dma_wait3A_552 = tpu.memref_slice %arg4[%add3A_504, %dma_wait3A_551] : memref<16384x1024xf32, #tpu.memory_space<hbm>> -> memref<16x1024xf32, #tpu.memory_space<hbm>>
    tpu.wait_dma2 semaphore(%arg23 : memref<!tpu.dma_semaphore, #tpu.memory_space<semaphore_mem>>) src(%arg9 : memref<16x1024xf32, #tpu.memory_space<vmem>>) dst(%dma_wait3A_552 : memref<16x1024xf32, #tpu.memory_space<hbm>>)
    %dma_start3A_553 = arith.constant 496 : i32
    %dma_start3A_554 = tpu.memref_slice %arg5[%dma_start3A_553] : memref<512xi32, #tpu.memory_space<vmem>> -> memref<16xi32, #tpu.memory_space<vmem>>
    %dma_start3A_555 = arith.constant 0 : i32
    %dma_start3A_556 = arith.constant 0 : i32
    %dma_start3A_557 = tpu.memref_slice %arg3[%dma_start3A_555, %dma_start3A_556] : memref<151936x1024xf32, #tpu.memory_space<hbm>> -> memref<151936x1024xf32, #tpu.memory_space<hbm>>
    tpu.enqueue_indirect_dma source(%dma_start3A_557 : memref<151936x1024xf32, #tpu.memory_space<hbm>>) target(%arg9 : memref<16x1024xf32, #tpu.memory_space<vmem>>) offsets(%dma_start3A_554 : memref<16xi32, #tpu.memory_space<vmem>>) semaphore(%arg16 : memref<!tpu.dma_semaphore, #tpu.memory_space<semaphore_mem>>)
    %dma_wait3A_558 = arith.constant 432 : i32
    %dma_wait3A_559 = tpu.memref_slice %arg5[%dma_wait3A_558] : memref<512xi32, #tpu.memory_space<vmem>> -> memref<16xi32, #tpu.memory_space<vmem>>
    %dma_wait3A_560 = arith.constant 0 : i32
    %dma_wait3A_561 = arith.constant 0 : i32
    %dma_wait3A_562 = tpu.memref_slice %arg3[%dma_wait3A_560, %dma_wait3A_561] : memref<151936x1024xf32, #tpu.memory_space<hbm>> -> memref<151936x1024xf32, #tpu.memory_space<hbm>>
    tpu.wait_indirect_dma semaphore(%arg19 : memref<!tpu.dma_semaphore, #tpu.memory_space<semaphore_mem>>) src(%dma_wait3A_562 : memref<151936x1024xf32, #tpu.memory_space<hbm>>) dst(%arg12 : memref<16x1024xf32, #tpu.memory_space<vmem>>)
    %add3A_563 = arith.constant 432 : i32
    %add3A_564 = arith.addi %mul3A_2, %add3A_563 : i32
    %dma_start3A_565 = arith.constant 0 : i32
    %dma_start3A_566 = tpu.memref_slice %arg4[%add3A_564, %dma_start3A_565] : memref<16384x1024xf32, #tpu.memory_space<hbm>> -> memref<16x1024xf32, #tpu.memory_space<hbm>>
    %dma_start3A_567 = arith.constant 0 : i32
    %dma_start3A_568 = tpu.memref_slice %arg4[%add3A_564, %dma_start3A_567] : memref<16384x1024xf32, #tpu.memory_space<hbm>> -> memref<16x1024xf32, #tpu.memory_space<hbm>>
    tpu.enqueue_dma source(%arg12 : memref<16x1024xf32, #tpu.memory_space<vmem>>) target(%dma_start3A_568 : memref<16x1024xf32, #tpu.memory_space<hbm>>) target_semaphore(%arg26 : memref<!tpu.dma_semaphore, #tpu.memory_space<semaphore_mem>>)
    %dma_wait3A_569 = arith.constant 448 : i32
    %dma_wait3A_570 = tpu.memref_slice %arg5[%dma_wait3A_569] : memref<512xi32, #tpu.memory_space<vmem>> -> memref<16xi32, #tpu.memory_space<vmem>>
    %dma_wait3A_571 = arith.constant 0 : i32
    %dma_wait3A_572 = arith.constant 0 : i32
    %dma_wait3A_573 = tpu.memref_slice %arg3[%dma_wait3A_571, %dma_wait3A_572] : memref<151936x1024xf32, #tpu.memory_space<hbm>> -> memref<151936x1024xf32, #tpu.memory_space<hbm>>
    tpu.wait_indirect_dma semaphore(%arg13 : memref<!tpu.dma_semaphore, #tpu.memory_space<semaphore_mem>>) src(%dma_wait3A_573 : memref<151936x1024xf32, #tpu.memory_space<hbm>>) dst(%arg6 : memref<16x1024xf32, #tpu.memory_space<vmem>>)
    %add3A_574 = arith.constant 448 : i32
    %add3A_575 = arith.addi %mul3A_2, %add3A_574 : i32
    %dma_start3A_576 = arith.constant 0 : i32
    %dma_start3A_577 = tpu.memref_slice %arg4[%add3A_575, %dma_start3A_576] : memref<16384x1024xf32, #tpu.memory_space<hbm>> -> memref<16x1024xf32, #tpu.memory_space<hbm>>
    %dma_start3A_578 = arith.constant 0 : i32
    %dma_start3A_579 = tpu.memref_slice %arg4[%add3A_575, %dma_start3A_578] : memref<16384x1024xf32, #tpu.memory_space<hbm>> -> memref<16x1024xf32, #tpu.memory_space<hbm>>
    tpu.enqueue_dma source(%arg6 : memref<16x1024xf32, #tpu.memory_space<vmem>>) target(%dma_start3A_579 : memref<16x1024xf32, #tpu.memory_space<hbm>>) target_semaphore(%arg20 : memref<!tpu.dma_semaphore, #tpu.memory_space<semaphore_mem>>)
    %dma_wait3A_580 = arith.constant 464 : i32
    %dma_wait3A_581 = tpu.memref_slice %arg5[%dma_wait3A_580] : memref<512xi32, #tpu.memory_space<vmem>> -> memref<16xi32, #tpu.memory_space<vmem>>
    %dma_wait3A_582 = arith.constant 0 : i32
    %dma_wait3A_583 = arith.constant 0 : i32
    %dma_wait3A_584 = tpu.memref_slice %arg3[%dma_wait3A_582, %dma_wait3A_583] : memref<151936x1024xf32, #tpu.memory_space<hbm>> -> memref<151936x1024xf32, #tpu.memory_space<hbm>>
    tpu.wait_indirect_dma semaphore(%arg14 : memref<!tpu.dma_semaphore, #tpu.memory_space<semaphore_mem>>) src(%dma_wait3A_584 : memref<151936x1024xf32, #tpu.memory_space<hbm>>) dst(%arg7 : memref<16x1024xf32, #tpu.memory_space<vmem>>)
    %add3A_585 = arith.constant 464 : i32
    %add3A_586 = arith.addi %mul3A_2, %add3A_585 : i32
    %dma_start3A_587 = arith.constant 0 : i32
    %dma_start3A_588 = tpu.memref_slice %arg4[%add3A_586, %dma_start3A_587] : memref<16384x1024xf32, #tpu.memory_space<hbm>> -> memref<16x1024xf32, #tpu.memory_space<hbm>>
    %dma_start3A_589 = arith.constant 0 : i32
    %dma_start3A_590 = tpu.memref_slice %arg4[%add3A_586, %dma_start3A_589] : memref<16384x1024xf32, #tpu.memory_space<hbm>> -> memref<16x1024xf32, #tpu.memory_space<hbm>>
    tpu.enqueue_dma source(%arg7 : memref<16x1024xf32, #tpu.memory_space<vmem>>) target(%dma_start3A_590 : memref<16x1024xf32, #tpu.memory_space<hbm>>) target_semaphore(%arg21 : memref<!tpu.dma_semaphore, #tpu.memory_space<semaphore_mem>>)
    %dma_wait3A_591 = arith.constant 480 : i32
    %dma_wait3A_592 = tpu.memref_slice %arg5[%dma_wait3A_591] : memref<512xi32, #tpu.memory_space<vmem>> -> memref<16xi32, #tpu.memory_space<vmem>>
    %dma_wait3A_593 = arith.constant 0 : i32
    %dma_wait3A_594 = arith.constant 0 : i32
    %dma_wait3A_595 = tpu.memref_slice %arg3[%dma_wait3A_593, %dma_wait3A_594] : memref<151936x1024xf32, #tpu.memory_space<hbm>> -> memref<151936x1024xf32, #tpu.memory_space<hbm>>
    tpu.wait_indirect_dma semaphore(%arg15 : memref<!tpu.dma_semaphore, #tpu.memory_space<semaphore_mem>>) src(%dma_wait3A_595 : memref<151936x1024xf32, #tpu.memory_space<hbm>>) dst(%arg8 : memref<16x1024xf32, #tpu.memory_space<vmem>>)
    %add3A_596 = arith.constant 480 : i32
    %add3A_597 = arith.addi %mul3A_2, %add3A_596 : i32
    %dma_start3A_598 = arith.constant 0 : i32
    %dma_start3A_599 = tpu.memref_slice %arg4[%add3A_597, %dma_start3A_598] : memref<16384x1024xf32, #tpu.memory_space<hbm>> -> memref<16x1024xf32, #tpu.memory_space<hbm>>
    %dma_start3A_600 = arith.constant 0 : i32
    %dma_start3A_601 = tpu.memref_slice %arg4[%add3A_597, %dma_start3A_600] : memref<16384x1024xf32, #tpu.memory_space<hbm>> -> memref<16x1024xf32, #tpu.memory_space<hbm>>
    tpu.enqueue_dma source(%arg8 : memref<16x1024xf32, #tpu.memory_space<vmem>>) target(%dma_start3A_601 : memref<16x1024xf32, #tpu.memory_space<hbm>>) target_semaphore(%arg22 : memref<!tpu.dma_semaphore, #tpu.memory_space<semaphore_mem>>)
    %dma_wait3A_602 = arith.constant 496 : i32
    %dma_wait3A_603 = tpu.memref_slice %arg5[%dma_wait3A_602] : memref<512xi32, #tpu.memory_space<vmem>> -> memref<16xi32, #tpu.memory_space<vmem>>
    %dma_wait3A_604 = arith.constant 0 : i32
    %dma_wait3A_605 = arith.constant 0 : i32
    %dma_wait3A_606 = tpu.memref_slice %arg3[%dma_wait3A_604, %dma_wait3A_605] : memref<151936x1024xf32, #tpu.memory_space<hbm>> -> memref<151936x1024xf32, #tpu.memory_space<hbm>>
    tpu.wait_indirect_dma semaphore(%arg16 : memref<!tpu.dma_semaphore, #tpu.memory_space<semaphore_mem>>) src(%dma_wait3A_606 : memref<151936x1024xf32, #tpu.memory_space<hbm>>) dst(%arg9 : memref<16x1024xf32, #tpu.memory_space<vmem>>)
    %add3A_607 = arith.constant 496 : i32
    %add3A_608 = arith.addi %mul3A_2, %add3A_607 : i32
    %dma_start3A_609 = arith.constant 0 : i32
    %dma_start3A_610 = tpu.memref_slice %arg4[%add3A_608, %dma_start3A_609] : memref<16384x1024xf32, #tpu.memory_space<hbm>> -> memref<16x1024xf32, #tpu.memory_space<hbm>>
    %dma_start3A_611 = arith.constant 0 : i32
    %dma_start3A_612 = tpu.memref_slice %arg4[%add3A_608, %dma_start3A_611] : memref<16384x1024xf32, #tpu.memory_space<hbm>> -> memref<16x1024xf32, #tpu.memory_space<hbm>>
    tpu.enqueue_dma source(%arg9 : memref<16x1024xf32, #tpu.memory_space<vmem>>) target(%dma_start3A_612 : memref<16x1024xf32, #tpu.memory_space<hbm>>) target_semaphore(%arg23 : memref<!tpu.dma_semaphore, #tpu.memory_space<semaphore_mem>>)
    %dma_wait3A_613 = arith.constant 0 : i32
    %dma_wait3A_614 = tpu.memref_slice %arg4[%add3A_524, %dma_wait3A_613] : memref<16384x1024xf32, #tpu.memory_space<hbm>> -> memref<16x1024xf32, #tpu.memory_space<hbm>>
    %dma_wait3A_615 = arith.constant 0 : i32
    %dma_wait3A_616 = tpu.memref_slice %arg4[%add3A_524, %dma_wait3A_615] : memref<16384x1024xf32, #tpu.memory_space<hbm>> -> memref<16x1024xf32, #tpu.memory_space<hbm>>
    tpu.wait_dma2 semaphore(%arg24 : memref<!tpu.dma_semaphore, #tpu.memory_space<semaphore_mem>>) src(%arg10 : memref<16x1024xf32, #tpu.memory_space<vmem>>) dst(%dma_wait3A_616 : memref<16x1024xf32, #tpu.memory_space<hbm>>)
    %dma_wait3A_617 = arith.constant 0 : i32
    %dma_wait3A_618 = tpu.memref_slice %arg4[%add3A_544, %dma_wait3A_617] : memref<16384x1024xf32, #tpu.memory_space<hbm>> -> memref<16x1024xf32, #tpu.memory_space<hbm>>
    %dma_wait3A_619 = arith.constant 0 : i32
    %dma_wait3A_620 = tpu.memref_slice %arg4[%add3A_544, %dma_wait3A_619] : memref<16384x1024xf32, #tpu.memory_space<hbm>> -> memref<16x1024xf32, #tpu.memory_space<hbm>>
    tpu.wait_dma2 semaphore(%arg25 : memref<!tpu.dma_semaphore, #tpu.memory_space<semaphore_mem>>) src(%arg11 : memref<16x1024xf32, #tpu.memory_space<vmem>>) dst(%dma_wait3A_620 : memref<16x1024xf32, #tpu.memory_space<hbm>>)
    %dma_wait3A_621 = arith.constant 0 : i32
    %dma_wait3A_622 = tpu.memref_slice %arg4[%add3A_564, %dma_wait3A_621] : memref<16384x1024xf32, #tpu.memory_space<hbm>> -> memref<16x1024xf32, #tpu.memory_space<hbm>>
    %dma_wait3A_623 = arith.constant 0 : i32
    %dma_wait3A_624 = tpu.memref_slice %arg4[%add3A_564, %dma_wait3A_623] : memref<16384x1024xf32, #tpu.memory_space<hbm>> -> memref<16x1024xf32, #tpu.memory_space<hbm>>
    tpu.wait_dma2 semaphore(%arg26 : memref<!tpu.dma_semaphore, #tpu.memory_space<semaphore_mem>>) src(%arg12 : memref<16x1024xf32, #tpu.memory_space<vmem>>) dst(%dma_wait3A_624 : memref<16x1024xf32, #tpu.memory_space<hbm>>)
    %dma_wait3A_625 = arith.constant 0 : i32
    %dma_wait3A_626 = tpu.memref_slice %arg4[%add3A_575, %dma_wait3A_625] : memref<16384x1024xf32, #tpu.memory_space<hbm>> -> memref<16x1024xf32, #tpu.memory_space<hbm>>
    %dma_wait3A_627 = arith.constant 0 : i32
    %dma_wait3A_628 = tpu.memref_slice %arg4[%add3A_575, %dma_wait3A_627] : memref<16384x1024xf32, #tpu.memory_space<hbm>> -> memref<16x1024xf32, #tpu.memory_space<hbm>>
    tpu.wait_dma2 semaphore(%arg20 : memref<!tpu.dma_semaphore, #tpu.memory_space<semaphore_mem>>) src(%arg6 : memref<16x1024xf32, #tpu.memory_space<vmem>>) dst(%dma_wait3A_628 : memref<16x1024xf32, #tpu.memory_space<hbm>>)
    %dma_wait3A_629 = arith.constant 0 : i32
    %dma_wait3A_630 = tpu.memref_slice %arg4[%add3A_586, %dma_wait3A_629] : memref<16384x1024xf32, #tpu.memory_space<hbm>> -> memref<16x1024xf32, #tpu.memory_space<hbm>>
    %dma_wait3A_631 = arith.constant 0 : i32
    %dma_wait3A_632 = tpu.memref_slice %arg4[%add3A_586, %dma_wait3A_631] : memref<16384x1024xf32, #tpu.memory_space<hbm>> -> memref<16x1024xf32, #tpu.memory_space<hbm>>
    tpu.wait_dma2 semaphore(%arg21 : memref<!tpu.dma_semaphore, #tpu.memory_space<semaphore_mem>>) src(%arg7 : memref<16x1024xf32, #tpu.memory_space<vmem>>) dst(%dma_wait3A_632 : memref<16x1024xf32, #tpu.memory_space<hbm>>)
    %dma_wait3A_633 = arith.constant 0 : i32
    %dma_wait3A_634 = tpu.memref_slice %arg4[%add3A_597, %dma_wait3A_633] : memref<16384x1024xf32, #tpu.memory_space<hbm>> -> memref<16x1024xf32, #tpu.memory_space<hbm>>
    %dma_wait3A_635 = arith.constant 0 : i32
    %dma_wait3A_636 = tpu.memref_slice %arg4[%add3A_597, %dma_wait3A_635] : memref<16384x1024xf32, #tpu.memory_space<hbm>> -> memref<16x1024xf32, #tpu.memory_space<hbm>>
    tpu.wait_dma2 semaphore(%arg22 : memref<!tpu.dma_semaphore, #tpu.memory_space<semaphore_mem>>) src(%arg8 : memref<16x1024xf32, #tpu.memory_space<vmem>>) dst(%dma_wait3A_636 : memref<16x1024xf32, #tpu.memory_space<hbm>>)
    %dma_wait3A_637 = arith.constant 0 : i32
    %dma_wait3A_638 = tpu.memref_slice %arg4[%add3A_608, %dma_wait3A_637] : memref<16384x1024xf32, #tpu.memory_space<hbm>> -> memref<16x1024xf32, #tpu.memory_space<hbm>>
    %dma_wait3A_639 = arith.constant 0 : i32
    %dma_wait3A_640 = tpu.memref_slice %arg4[%add3A_608, %dma_wait3A_639] : memref<16384x1024xf32, #tpu.memory_space<hbm>> -> memref<16x1024xf32, #tpu.memory_space<hbm>>
    tpu.wait_dma2 semaphore(%arg23 : memref<!tpu.dma_semaphore, #tpu.memory_space<semaphore_mem>>) src(%arg9 : memref<16x1024xf32, #tpu.memory_space<vmem>>) dst(%dma_wait3A_640 : memref<16x1024xf32, #tpu.memory_space<hbm>>)
    return
  }
}

</mosaic_0001>

<sc_bundles>
// kernel: kernel.3.cloned.1.call-start
scs
__scs_entry_jumppad:
0x0: {  	(pc) =	sbr.rel $0x88, $3  }
0x1: {  	(tag) =	ssettag $0x0;
	lr =	simm.s32 $0x1  }
0x2: {  	[smem:$0x3F9F] =	sst lr;
	_ =	strace $0xD0000000  }
0x3: {  	_ = 	snop  }
0x4: {  	_ = 	snop  }
0x5: {  	_ = 	snop  }
0x6: {  	_ = 	snop  }
0x7: {  	_ = 	snop  }
__scs_overlays_trampoline_lowered:
0x8: {  	[smem:$0x3FAE] =	sst s0  }
0x9: {  	[smem:$0x3FAF] =	sst s1  }
0xa: {  	[smem:$0x3FB0] =	sst s2  }
0xb: {  	[smem:$0x3FB1] =	sst s3  }
0xc: {  	[smem:$0x3FB2] =	sst s4  }
0xd: {  	[smem:$0x3FB3] =	sst s5  }
0xe: {  	[smem:$0x3FB4] =	sst s6  }
0xf: {  	[smem:$0x3FB5] =	sst s7  }
0x10: {  	[smem:$0x3FB6] =	sst s8  }
0x11: {  	[smem:$0x3FB7] =	sst s9;
	s0 =	simm.s32 @!p0 $0x0  }
0x12: {  	s1 =	sld [smem:$0x3F9D];
	s0 =	simm.s32 @p0 $0x1  }
0x13: {  	[smem:$0x3FB8] =	sst s0;
	s0 =	simm.s32 @!p1 $0x0  }
0x14: {  	s2 =	sld [smem:$0x3F9C];
	s0 =	simm.s32 @p1 $0x1  }
0x15: {  	[smem:$0x3FB9] =	sst s0;
	s0 =	simm.s32 @!p2 $0x0  }
0x16: {  	s3 =	sld [smem:$0x3FDB];
	s0 =	simm.s32 @p2 $0x1  }
0x17: {  	s4 =	simm.s32 $0x1BF5;
	[smem:$0x3FBB] =	sst s0  }
0x18: {  	s0 =	sld [smem:$0x3F9E];
	_ =	swait.ge [sflag:s4], $0x0  }
0x19: {  	s7 =	sld [smem:$0x3F9F]  }
0x1a: {  	s8 =	sadd.s32 $0xFFFFE003, lr  }
0x1b: {  	s9 =	sadd.s32 $0xFFFFFEF7, lr;
	s5 =	simm.s32 $0xFFFFFFFF;
	p2 =	slt.u32 s8, $0xFFFFF086  }
0x1c: {  	p1 =	slt.u32 s9, $0xF7A;
	s5 =	simm.s32 @!p2 $0x0  }
0x1d: {  	s5 =	simm.s32 @p1 $0x1;
	p0 =	seq.s32 s7, s2  }
0x1e: {  	s7 =	smul.u32 @!p0 $0xF7A, s2;
	p2 =	seq.s32 @!p0 s5, $0x0  }
0x1f: {  	s9 =	smul.u32 $0xF7A, s1;
	s8 =	simm.s32 @!p0 $0x1BF5;
	p2 =	por !p2, p0  }
0x20: {  	[sflag:s8] =	ssyncset.s32 @!p0 $0xFFFFF086;
	s6 =	sadd.s32 @!p0 s3, s7;
	s7 =	simm.s32 @!p0 $0x108  }
0x21: {  	s3 =	sadd.s32 s3, s9;
	s6 =	sadd.s32 @!p0 $0x88, s6;
	s7 =	simm.s32 @p2 $0x1082  }
0x22: {  	[simem:s7], [sflag:s8] =	dma.local @!p0 [hbm:s6], $0xF7A  }
0x23: {  	s9 =	sor.u32 $0xD0000000, s2;
	s6 =	simm.s32 $0x108;
	_ =	swait.ge @!p0 [sflag:s8], $0x0  }
0x24: {  	s3 =	sadd.s32 $0x88, s3;
	s6 =	simm.s32 @!p1 $0x1082;
	[sflag:s4] =	ssyncset.s32 $0xFFFFF086  }
0x25: {  	[simem:s6], [sflag:s4] =	dma.local [hbm:s3], $0xF7A  }
0x26: {  	[smem:$0x3F9F] =	sst s1;
	(tag) =	ssettag s2;
	_ =	strace s9  }
0x27: {  	s1 =	sld [smem:$0x3FAF]  }
0x28: {  	s2 =	sld [smem:$0x3FB0]  }
0x29: {  	s4 =	sld [smem:$0x3FB2]  }
0x2a: {  	p0 =	seq.s32 s5, $0x0;
	s5 =	sld [smem:$0x3FB3]  }
0x2b: {  	s6 =	sld [smem:$0x3FB4]  }
0x2c: {  	s7 =	sld [smem:$0x3FB5]  }
0x2d: {  	s3 =	simm.s32 $0x108;
	s8 =	sld [smem:$0x3FB6]  }
0x2e: {  	s3 =	simm.s32 @!p0 $0x1082;
	s9 =	sld [smem:$0x3FB7]  }
0x2f: {  	lr =	sadd.s32 s0, s3;
	s0 =	sld [smem:$0x3FAE]  }
0x30: {  	s3 =	sld [smem:$0x3FB1]  }
0x31: {  	[smem:$0x3FBA] =	sst s10  }
0x32: {  	s10 =	sld [smem:$0x3FB8];
	_ =	sdelay $0x3  }
0x33: {  	p0 =	seq.s32 s10, $0x1;
	s10 =	sld [smem:$0x3FBA];
	_ =	sdelay $0x3  }
0x34: {  	[smem:$0x3FBA] =	sst s10  }
0x35: {  	s10 =	sld [smem:$0x3FB9];
	_ =	sdelay $0x3  }
0x36: {  	p1 =	seq.s32 s10, $0x1;
	s10 =	sld [smem:$0x3FBA];
	_ =	sdelay $0x3  }
0x37: {  	[smem:$0x3FBA] =	sst s10  }
0x38: {  	s10 =	sld [smem:$0x3FBB]  }
0x39: {  	_ = 	snop;
	(pc) =	sbr.ind lr, $3  }
0x3a: {  	_ = 	snop  }
0x3b: {  	_ = 	snop  }
0x3c: {  	p2 =	seq.s32 s10, $0x1;
	s10 =	sld [smem:$0x3FBA]  }
0x3d: {  	_ =	shalt  }
0x3e: {  	_ =	shalt  }
0x3f: {  	_ =	shalt  }
0x40: {  	_ =	shalt  }
0x41: {  	_ =	shalt  }
0x42: {  	_ =	shalt  }
0x43: {  	_ =	shalt  }
0x44: {  	_ =	shalt  }
0x45: {  	_ =	shalt  }
0x46: {  	_ =	shalt  }
0x47: {  	_ =	shalt  }
0x48: {  	_ =	shalt  }
0x49: {  	_ =	shalt  }
0x4a: {  	_ =	shalt  }
0x4b: {  	_ =	shalt  }
0x4c: {  	_ =	shalt  }
0x4d: {  	_ =	shalt  }
0x4e: {  	_ =	shalt  }
0x4f: {  	_ =	shalt  }
0x50: {  	_ =	shalt  }
0x51: {  	_ =	shalt  }
0x52: {  	_ =	shalt  }
0x53: {  	_ =	shalt  }
0x54: {  	_ =	shalt  }
0x55: {  	_ =	shalt  }
0x56: {  	_ =	shalt  }
0x57: {  	_ =	shalt  }
0x58: {  	_ =	shalt  }
0x59: {  	_ =	shalt  }
0x5a: {  	_ =	shalt  }
0x5b: {  	_ =	shalt  }
0x5c: {  	_ =	shalt  }
0x5d: {  	_ =	shalt  }
0x5e: {  	_ =	shalt  }
0x5f: {  	_ =	shalt  }
0x60: {  	_ =	shalt  }
0x61: {  	_ =	shalt  }
0x62: {  	_ =	shalt  }
0x63: {  	_ =	shalt  }
0x64: {  	_ =	shalt  }
0x65: {  	_ =	shalt  }
0x66: {  	_ =	shalt  }
0x67: {  	_ =	shalt  }
0x68: {  	_ =	shalt  }
0x69: {  	_ =	shalt  }
0x6a: {  	_ =	shalt  }
0x6b: {  	_ =	shalt  }
0x6c: {  	_ =	shalt  }
0x6d: {  	_ =	shalt  }
0x6e: {  	_ =	shalt  }
0x6f: {  	_ =	shalt  }
0x70: {  	_ =	shalt  }
0x71: {  	_ =	shalt  }
0x72: {  	_ =	shalt  }
0x73: {  	_ =	shalt  }
0x74: {  	_ =	shalt  }
0x75: {  	_ =	shalt  }
0x76: {  	_ =	shalt  }
0x77: {  	_ =	shalt  }
0x78: {  	_ =	shalt  }
0x79: {  	_ =	shalt  }
0x7a: {  	_ =	shalt  }
0x7b: {  	_ =	shalt  }
0x7c: {  	_ =	shalt  }
0x7d: {  	_ =	shalt  }
0x7e: {  	_ =	shalt  }
0x7f: {  	_ =	shalt  }
0x80: {  	_ =	shalt  }
0x81: {  	_ =	shalt  }
0x82: {  	_ =	shalt  }
0x83: {  	_ =	shalt  }
0x84: {  	_ =	shalt  }
0x85: {  	_ =	shalt  }
0x86: {  	_ =	shalt  }
0x87: {  	_ =	shalt  }
.Lfunc_end0:
.L_simem_size_0:
called_computation_lowered:
.L_overlay_start_0:
0x88: {  	s2 =	sld [smem:$0x3FD9]  }
0x89: {  	s3 =	sld [smem:$0x3FFE];
	_ =	sdelay $0x1  }
0x8a: {  	s1 =	srdreg.scid  }
0x8b: {  	s0 =	sand.u32 $0x1, s1  }
0x8c: {  	s17 =	sshll.u32 s0, $0xA;
	s2 =	sadd.s32 s3, s2  }
0x8d: {  	s2 =	sadd.s32 s2, s17  }
0x8e: {  	[smem:$0x3FC6] =	sst s2  }
0x8f: {  	_ = 	snop  }
0x90: {  	s2 =	sld [smem:$0x3FC8]  }
0x91: {  	s18 =	sld [smem:$0x3FD0];
	(tm) =	ssettm $0x1  }
0x92: {  	s4 =	sld [smem:$0x3FFB];
	_ =	sdelay $0x3  }
0x93: {  	_ =	strace s4  }
0x94: {  	s4 =	sld [smem:$0x3FFC];
	_ =	sdelay $0x3  }
0x95: {  	_ =	strace s4  }
0x96: {  	s4 =	sld [smem:$0x3FFD];
	_ =	sdelay $0x3  }
0x97: {  	_ =	strace s4  }
0x98: {  	_ =	strace $0x8FFFFFFF  }
0x99: {  	s19 =	sld [smem:$0x3FDB];
	_ =	sdelay $0x1  }
0x9a: {  	s5 =	simm.s32 $_scs_section_size  }
0x9b: {  	s6 =	simm.s32 $_size__tile_overlayer_lowered;
	s7 =	simm.s32 $_tile_overlayer_lowered  }
0x9c: {  	s22 =	simm.s32 $0x1BFF;
	s21 =	sshll.u32 s7, $0x1;
	s4 =	sadd.s32 s5, s19  }
0x9d: {  	s8 =	simm.s32 $0x0;
	s20 =	sshll.u32 s6, $0x1;
	s6 =	sadd.s32 s21, s4  }
0x9e: {  	[timem:s8], [sflag:s22] =	dma.local [hbm:s6], s20  }
0x9f: {  	_ =	swait.ge [sflag:s22], s20  }
0xa0: {  	s5 =	ssub.s32 $0x0, s20;
	[sflag:s22] =	ssyncset.done $0x0  }
0xa1: {  	[sflag:s22] =	ssyncadd.s32 s5;
	_ =	sdelay $0x1  }
0xa2: {  	s23 =	simm.s32 $0x1B8B  }
0xa3: {  	_ =	swait.ge [sflag:s23], $0x1  }
0xa4: {  	[sflag:s23] =	ssyncset.done $0x0  }
0xa5: {  	s25 =	simm.s32 $0x1B8E;
	s24 =	sld [smem:$0x3FFE];
	[sflag:s23] =	ssyncadd.s32 $0xFFFFFFFF  }
0xa6: {  	s26 =	simm.s32 $execute0_lowered;
	[smem:$0x3FD2] =	sst s25  }
0xa7: {  	s6 =	sshll.u32 s26, $0x1;
	_ =	strace $0x80000046;
	[dreg:$0x1] =	wrdreg $0xFFFFFFFF  }
0xa8: {  	s28 =	simm.s32 $_size_execute0_lowered;
	s4 =	sadd.s32 s4, s6;
	[dreg:$0x0] =	wrdreg $0x0  }
0xa9: {  	s6 =	sshll.u32 s28, $0x1;
	[dreg:$0x2] =	wrdreg s4  }
0xaa: {  	[dreg:$0x3] =	wrdreg s6  }
0xab: {  	[dreg:$0x4] =	wrdreg $0xC0  }
0xac: {  	_ =	task [dreg:s8], $0x5FFFF  }
0xad: {  	[dreg:$0x1] =	wrdreg $0xFFFFFFFF  }
0xae: {  	[dreg:$0x0] =	wrdreg $0x60  }
0xaf: {  	[dreg:$0x2] =	wrdreg s24  }
0xb0: {  	[dreg:$0x3] =	wrdreg s2  }
0xb1: {  	[dreg:$0x4] =	wrdreg s18  }
0xb2: {  	[dreg:$0x5] =	wrdreg $0x9  }
0xb3: {  	_ =	task.clear_ibuf [dreg:s8], $0x6FFFF;
	_ =	strace $0x90000046  }
0xb4: {  	s29 =	simm.s32 $0x9;
	_ =	strace $0x80000048  }
0xb5: {  	_ =	swait.ge [sflag:s29], $0x1  }
0xb6: {  	[sflag:s29] =	ssyncadd.s32 $0xFFFFFFFF  }
0xb7: {  	_ =	strace $0x90000048  }
0xb8: {  	_ =	sfence  }
0xb9: {  	s30 =	sld [smem:$0x0];
	_ =	sdelay $0x2  }
0xba: {  	s31 =	sshll.u32 s1, $0xD;
	s1 =	sshrl.u32 s1, $0x2  }
0xbb: {  	s3 =	sand.u32 $0x4000, s31;
	s1 =	sadd.s32 s1, s30  }
0xbc: {  	s0 =	sor.u32 s3, s0;
	s1 =	sshll.u32 s1, $0x11  }
0xbd: {  	s0 =	sor.u32 s1, s0  }
0xbe: {  	s0 =	sadd.s32 $0x8F2B, s0  }
0xbf: {  	[sflag:s0] =	ssyncadd.remote.s32 $0x1  }
0xc0: {  	_ =	sfence.sel $0xFFFF  }
0xc1: {  	[dreg:$0x0] =	wrdreg $0xFFFFFFFF;
	(pc) =	sbr.abs _section_cstart, $3  }
0xc2: {  	[dreg:$0x1] =	wrdreg $0xFFFFFFFF  }
0xc3: {  	_ =	task.clear_ibuf [dreg:s8], $0x2FFFF;
	_ =	strace $0x9FFFFFFF  }
0xc4: {  	(tm) =	ssettm $0x7FFFFFFF  }
0xc5: {  	_ =	shalt  }
tec
execute0_lowered:
.L_overlay_start_1:
0x0: {  	(tag) =	ssettag $0x1  }
0x1: {  	s0 =	srdreg.scid  }
0x2: {  	s1 =	rddreg [dreg:$0x0];
	s3 =	stileid.u32;
	s0 =	sand.u32 $0x1, s0  }
0x3: {  	s2 =	rddreg [dreg:$0x1];
	s3 =	sshll.u32 s3, $0xA;
	s4 =	sshll.u32 s0, $0x9  }
0x4: {  	s5 =	rddreg [dreg:$0x2];
	s4 =	sor.u32 s4, s3  }
0x5: {  	s3 =	simm.s32 $0x0;
	s6 =	sshrl.u32 s4, $0x3;
	s4 =	sshll.u32 s4, $0x7  }
0x6: {  	[smem:$0x7FF] =	sst s3;
	s1 =	sadd.s32 s6, s1;
	s6 =	sadd.s32 s5, s4  }
0x7: {  	_ =	strace $0x80000047;
	s1 =	sadd.s32 $0x400, s1;
	[smem:$0x7FC] =	sst s6  }
0x8: {  	s19 =	sadd.s32 $0x800, s6;
	[dreg:$0x4] =	wrdreg s1  }
0x9: {  	s20 =	sadd.s32 $0x1000, s6;
	[dreg:$0x5] =	wrdreg s19  }
0xa: {  	s21 =	sadd.s32 $0x1800, s6;
	[dreg:$0x6] =	wrdreg s20  }
0xb: {  	s22 =	sadd.s32 $0x2000, s6;
	[dreg:$0x7] =	wrdreg s21  }
0xc: {  	s23 =	sadd.s32 $0x2800, s6;
	[dreg:$0x8] =	wrdreg s22  }
0xd: {  	s24 =	sadd.s32 $0x3000, s6;
	[dreg:$0x9] =	wrdreg s23  }
0xe: {  	s25 =	sadd.s32 $0x3800, s6;
	[dreg:$0xa] =	wrdreg s24  }
0xf: {  	s26 =	sadd.s32 $0x4000, s6;
	[dreg:$0xb] =	wrdreg s25  }
0x10: {  	s30 =	sadd.s32 $0x4800, s6;
	[dreg:$0xc] =	wrdreg s26  }
0x11: {  	s4 =	sadd.s32 $0x5000, s6;
	[dreg:$0xd] =	wrdreg s30  }
0x12: {  	s5 =	sadd.s32 $0x5800, s6;
	[dreg:$0xe] =	wrdreg s4  }
0x13: {  	s7 =	sadd.s32 $0x6000, s6;
	[dreg:$0xf] =	wrdreg s5  }
0x14: {  	s8 =	sadd.s32 $0x6800, s6;
	[dreg:$0x10] =	wrdreg s7  }
0x15: {  	s9 =	sadd.s32 $0x7000, s6;
	[dreg:$0x11] =	wrdreg s8  }
0x16: {  	s10 =	sadd.s32 $0x7800, s6;
	[dreg:$0x12] =	wrdreg s9  }
0x17: {  	s11 =	sadd.s32 $0x8000, s6;
	[dreg:$0x13] =	wrdreg s10  }
0x18: {  	s12 =	sadd.s32 $0x8800, s6;
	[dreg:$0x14] =	wrdreg s11  }
0x19: {  	s13 =	sadd.s32 $0x9000, s6;
	[dreg:$0x15] =	wrdreg s12  }
0x1a: {  	s14 =	sadd.s32 $0x9800, s6;
	[dreg:$0x16] =	wrdreg s13  }
0x1b: {  	s15 =	sadd.s32 $0xA000, s6;
	[dreg:$0x17] =	wrdreg s14  }
0x1c: {  	s16 =	sadd.s32 $0xA800, s6;
	[dreg:$0x18] =	wrdreg s15  }
0x1d: {  	s17 =	sadd.s32 $0xB000, s6;
	[dreg:$0x19] =	wrdreg s16  }
0x1e: {  	s18 =	sadd.s32 $0xB800, s6;
	[dreg:$0x1a] =	wrdreg s17  }
0x1f: {  	[dreg:$0x1b] =	wrdreg s18;
	s19 =	sadd.s32 $0xC000, s6  }
0x20: {  	s28 =	simm.s32 $0x4;
	s20 =	sadd.s32 $0xC800, s6;
	[dreg:$0x1c] =	wrdreg s19  }
0x21: {  	s29 =	simm.s32 $0x9;
	s21 =	sadd.s32 $0xD000, s6;
	[dreg:$0x1d] =	wrdreg s20  }
0x22: {  	s31 =	simm.s32 $0xA;
	s22 =	sadd.s32 $0xD800, s6;
	[dreg:$0x1e] =	wrdreg s21  }
0x23: {  	s0 =	ssub.s32 $0x2, s0;
	s23 =	sadd.s32 $0xE000, s6;
	[dreg:$0x1f] =	wrdreg s22  }
0x24: {  	s24 =	sshrl.u32 s0, $0x1;
	s25 =	sadd.s32 $0xE800, s6;
	[smem:$0x7F9] =	sst s23  }
0x25: {  	s26 =	sadd.s32 $0xF000, s6;
	s5 =	sadd.s32 $0x100, s2;
	[smem:$0x7FA] =	sst s25  }
0x26: {  	s30 =	sadd.s32 $0xF800, s6;
	s6 =	sadd.s32 $0x200, s2;
	[smem:$0x7FB] =	sst s26  }
0x27: {  	v2 =	vlaneseq.u32;
	s7 =	sadd.s32 $0x300, s2;
	s0 =	ssub.s32 s0, s24;
	[smem:$0x7FD] =	sst s30  }
0x28: {  	vm0 =	vmmov $0xffff;
	v1 =	vshrl.u32 v2, $0x3;
	s20 =	simm.s32 $0x1;
	s22 =	simm.s32 $0x2;
	s24 =	simm.s32 $0x3  }
0x29: {  	v0 =	vand.u32 $0x7, v2;
	v2 =	vor.u32 $0x8, v2;
	v1 =	vmul.u32 $0x8, v1;
	s25 =	simm.s32 $0x8;
	s1 =	smax.u32 s0, $0x1;
	s0 =	simm.s32 $0xB  }
.LBB2_1:
0x2a: {  	[smem:$0x7F8] =	sst s1  }
0x2b: {  	s14 =	rddreg [dreg:$0x4];
	s12 =	simm.s32 $0xF  }
0x2c: {  	[tilespmem:s3], [sflag:$0xF] =	stream.linear.gather [hbm4b:s14+s3], $0x200, $0x38;
	[tilespmem:$0x1C200] =	vst v63  }
0x2d: {  	_ =	swait.ge [sflag:s12], $0x200  }
0x2e: {  	[sflag:s12] =	ssyncset.done $0x0  }
0x2f: {  	[sflag:s12] =	ssyncadd.s32 $0xFFFFFE00  }
0x30: {  	v3 =	vld [tilespmem:$0x0];
	_ =	sdelay $0x4  }
0x31: {  	v4 =	vshll.u32 v3, $0x3  }
0x32: {  	v3 =	vand.u32 $0x7, v3;
	v4 =	vand.u32 $0xFFFFFFC0, v4  }
0x33: {  	v3 =	vor.u32 v3, v4  }
0x34: {  	v4 =	vperm.xlane v3, v0;
	_ =	sdelay $0x1  }
0x35: {  	v4 =	vadd.s32 v1, v4;
	_ =	sdelay $0x3  }
0x36: {  	s4 =	simm.s32 $0x200  }
0x37: {  	[tilespmem:s4], [sflag:$0x1] =	stream.indirect_vreg.gather [hbm4b:s2+s3], $0x80, v4, vm0, $0xb8;
	[tilespmem:$0x1C200] =	vst v63  }
0x38: {  	s13 =	simm.s32 $0xA00;
	v3 =	vperm.xlane v3, v2  }
0x39: {  	[tilespmem:s13], [sflag:$0x1] =	stream.indirect_vreg.gather [hbm4b:s5+s3], $0x80, v4, vm0, $0xb8;
	[tilespmem:$0x1C200] =	vst v63  }
0x3a: {  	s14 =	simm.s32 $0x1200;
	v3 =	vadd.s32 v1, v3  }
0x3b: {  	[tilespmem:s14], [sflag:$0x1] =	stream.indirect_vreg.gather [hbm4b:s6+s3], $0x80, v4, vm0, $0xb8;
	[tilespmem:$0x1C200] =	vst v63  }
0x3c: {  	s15 =	simm.s32 $0x1A00  }
0x3d: {  	[tilespmem:s15], [sflag:$0x1] =	stream.indirect_vreg.gather [hbm4b:s7+s3], $0x80, v4, vm0, $0xb8;
	[tilespmem:$0x1C200] =	vst v63  }
0x3e: {  	s16 =	simm.s32 $0x2200  }
0x3f: {  	[tilespmem:s16], [sflag:$0x1] =	stream.indirect_vreg.gather [hbm4b:s2+s3], $0x80, v3, vm0, $0xb8;
	[tilespmem:$0x1C200] =	vst v63  }
0x40: {  	s17 =	simm.s32 $0x2A00  }
0x41: {  	[tilespmem:s17], [sflag:$0x1] =	stream.indirect_vreg.gather [hbm4b:s5+s3], $0x80, v3, vm0, $0xb8;
	[tilespmem:$0x1C200] =	vst v63  }
0x42: {  	s18 =	simm.s32 $0x3200  }
0x43: {  	[tilespmem:s18], [sflag:$0x1] =	stream.indirect_vreg.gather [hbm4b:s6+s3], $0x80, v3, vm0, $0xb8;
	[tilespmem:$0x1C200] =	vst v63  }
0x44: {  	s19 =	simm.s32 $0x3A00  }
0x45: {  	[tilespmem:s19], [sflag:$0x1] =	stream.indirect_vreg.gather [hbm4b:s7+s3], $0x80, v3, vm0, $0xb8;
	[tilespmem:$0x1C200] =	vst v63  }
0x46: {  	v3 =	vld [tilespmem:$0x10];
	_ =	sdelay $0x4  }
0x47: {  	v33 =	vshll.u32 v3, $0x3  }
0x48: {  	v3 =	vand.u32 $0x7, v3;
	v4 =	vand.u32 $0xFFFFFFC0, v33  }
0x49: {  	v3 =	vor.u32 v3, v4  }
0x4a: {  	v4 =	vperm.xlane v3, v0;
	_ =	sdelay $0x1  }
0x4b: {  	v4 =	vadd.s32 v1, v4;
	_ =	sdelay $0x3  }
0x4c: {  	s21 =	simm.s32 $0x4200  }
0x4d: {  	[tilespmem:s21], [sflag:$0x2] =	stream.indirect_vreg.gather [hbm4b:s2+s3], $0x80, v4, vm0, $0xb8;
	[tilespmem:$0x1C200] =	vst v63  }
0x4e: {  	s23 =	simm.s32 $0x4A00;
	v3 =	vperm.xlane v3, v2  }
0x4f: {  	[tilespmem:s23], [sflag:$0x2] =	stream.indirect_vreg.gather [hbm4b:s5+s3], $0x80, v4, vm0, $0xb8;
	[tilespmem:$0x1C200] =	vst v63  }
0x50: {  	s26 =	simm.s32 $0x5200;
	v3 =	vadd.s32 v1, v3  }
0x51: {  	[tilespmem:s26], [sflag:$0x2] =	stream.indirect_vreg.gather [hbm4b:s6+s3], $0x80, v4, vm0, $0xb8;
	[tilespmem:$0x1C200] =	vst v63  }
0x52: {  	s30 =	simm.s32 $0x5A00  }
0x53: {  	[tilespmem:s30], [sflag:$0x2] =	stream.indirect_vreg.gather [hbm4b:s7+s3], $0x80, v4, vm0, $0xb8;
	[tilespmem:$0x1C200] =	vst v63  }
0x54: {  	s1 =	simm.s32 $0x6200  }
0x55: {  	[tilespmem:s1], [sflag:$0x2] =	stream.indirect_vreg.gather [hbm4b:s2+s3], $0x80, v3, vm0, $0xb8;
	[tilespmem:$0x1C200] =	vst v63  }
0x56: {  	s8 =	simm.s32 $0x6A00  }
0x57: {  	[tilespmem:s8], [sflag:$0x2] =	stream.indirect_vreg.gather [hbm4b:s5+s3], $0x80, v3, vm0, $0xb8;
	[tilespmem:$0x1C200] =	vst v63  }
0x58: {  	s10 =	simm.s32 $0x7200  }
0x59: {  	[tilespmem:s10], [sflag:$0x2] =	stream.indirect_vreg.gather [hbm4b:s6+s3], $0x80, v3, vm0, $0xb8;
	[tilespmem:$0x1C200] =	vst v63  }
0x5a: {  	s14 =	simm.s32 $0x7A00  }
0x5b: {  	[tilespmem:s14], [sflag:$0x2] =	stream.indirect_vreg.gather [hbm4b:s7+s3], $0x80, v3, vm0, $0xb8;
	[tilespmem:$0x1C200] =	vst v63  }
0x5c: {  	v3 =	vld [tilespmem:$0x20];
	_ =	sdelay $0x4  }
0x5d: {  	v34 =	vshll.u32 v3, $0x3  }
0x5e: {  	v3 =	vand.u32 $0x7, v3;
	v4 =	vand.u32 $0xFFFFFFC0, v34  }
0x5f: {  	v3 =	vor.u32 v3, v4  }
0x60: {  	v4 =	vperm.xlane v3, v0;
	_ =	sdelay $0x1  }
0x61: {  	v4 =	vadd.s32 v1, v4;
	_ =	sdelay $0x3  }
0x62: {  	s17 =	simm.s32 $0x8200  }
0x63: {  	[tilespmem:s17], [sflag:$0x3] =	stream.indirect_vreg.gather [hbm4b:s2+s3], $0x80, v4, vm0, $0xb8;
	[tilespmem:$0x1C200] =	vst v63  }
0x64: {  	s10 =	simm.s32 $0x8A00;
	v3 =	vperm.xlane v3, v2  }
0x65: {  	[tilespmem:s10], [sflag:$0x3] =	stream.indirect_vreg.gather [hbm4b:s5+s3], $0x80, v4, vm0, $0xb8;
	[tilespmem:$0x1C200] =	vst v63  }
0x66: {  	s21 =	simm.s32 $0x9200;
	v3 =	vadd.s32 v1, v3  }
0x67: {  	[tilespmem:s21], [sflag:$0x3] =	stream.indirect_vreg.gather [hbm4b:s6+s3], $0x80, v4, vm0, $0xb8;
	[tilespmem:$0x1C200] =	vst v63  }
0x68: {  	s1 =	simm.s32 $0x9A00  }
0x69: {  	[tilespmem:s1], [sflag:$0x3] =	stream.indirect_vreg.gather [hbm4b:s7+s3], $0x80, v4, vm0, $0xb8;
	[tilespmem:$0x1C200] =	vst v63  }
0x6a: {  	s4 =	simm.s32 $0xA200  }
0x6b: {  	[tilespmem:s4], [sflag:$0x3] =	stream.indirect_vreg.gather [hbm4b:s2+s3], $0x80, v3, vm0, $0xb8;
	[tilespmem:$0x1C200] =	vst v63  }
0x6c: {  	s8 =	simm.s32 $0xAA00  }
0x6d: {  	[tilespmem:s8], [sflag:$0x3] =	stream.indirect_vreg.gather [hbm4b:s5+s3], $0x80, v3, vm0, $0xb8;
	[tilespmem:$0x1C200] =	vst v63  }
0x6e: {  	s14 =	simm.s32 $0xB200  }
0x6f: {  	[tilespmem:s14], [sflag:$0x3] =	stream.indirect_vreg.gather [hbm4b:s6+s3], $0x80, v3, vm0, $0xb8;
	[tilespmem:$0x1C200] =	vst v63  }
0x70: {  	s17 =	simm.s32 $0xBA00  }
0x71: {  	[tilespmem:s17], [sflag:$0x3] =	stream.indirect_vreg.gather [hbm4b:s7+s3], $0x80, v3, vm0, $0xb8;
	[tilespmem:$0x1C200] =	vst v63  }
0x72: {  	v3 =	vld [tilespmem:$0x30];
	_ =	sdelay $0x4  }
0x73: {  	v35 =	vshll.u32 v3, $0x3  }
0x74: {  	v3 =	vand.u32 $0x7, v3;
	v4 =	vand.u32 $0xFFFFFFC0, v35  }
0x75: {  	v3 =	vor.u32 v3, v4  }
0x76: {  	v4 =	vperm.xlane v3, v0;
	_ =	sdelay $0x1  }
0x77: {  	v4 =	vadd.s32 v1, v4;
	_ =	sdelay $0x3  }
0x78: {  	s21 =	simm.s32 $0xC200  }
0x79: {  	[tilespmem:s21], [sflag:$0x4] =	stream.indirect_vreg.gather [hbm4b:s2+s3], $0x80, v4, vm0, $0xb8;
	[tilespmem:$0x1C200] =	vst v63  }
0x7a: {  	s1 =	simm.s32 $0xCA00;
	v3 =	vperm.xlane v3, v2  }
0x7b: {  	[tilespmem:s1], [sflag:$0x4] =	stream.indirect_vreg.gather [hbm4b:s5+s3], $0x80, v4, vm0, $0xb8;
	[tilespmem:$0x1C200] =	vst v63  }
0x7c: {  	s4 =	simm.s32 $0xD200;
	v3 =	vadd.s32 v1, v3  }
0x7d: {  	[tilespmem:s4], [sflag:$0x4] =	stream.indirect_vreg.gather [hbm4b:s6+s3], $0x80, v4, vm0, $0xb8;
	[tilespmem:$0x1C200] =	vst v63  }
0x7e: {  	s8 =	simm.s32 $0xDA00  }
0x7f: {  	[tilespmem:s8], [sflag:$0x4] =	stream.indirect_vreg.gather [hbm4b:s7+s3], $0x80, v4, vm0, $0xb8;
	[tilespmem:$0x1C200] =	vst v63  }
0x80: {  	s10 =	simm.s32 $0xE200  }
0x81: {  	[tilespmem:s10], [sflag:$0x4] =	stream.indirect_vreg.gather [hbm4b:s2+s3], $0x80, v3, vm0, $0xb8;
	[tilespmem:$0x1C200] =	vst v63  }
0x82: {  	s17 =	simm.s32 $0xEA00  }
0x83: {  	[tilespmem:s17], [sflag:$0x4] =	stream.indirect_vreg.gather [hbm4b:s5+s3], $0x80, v3, vm0, $0xb8;
	[tilespmem:$0x1C200] =	vst v63  }
0x84: {  	s21 =	simm.s32 $0xF200  }
0x85: {  	[tilespmem:s21], [sflag:$0x4] =	stream.indirect_vreg.gather [hbm4b:s6+s3], $0x80, v3, vm0, $0xb8;
	[tilespmem:$0x1C200] =	vst v63  }
0x86: {  	s1 =	simm.s32 $0xFA00  }
0x87: {  	[tilespmem:s1], [sflag:$0x4] =	stream.indirect_vreg.gather [hbm4b:s7+s3], $0x80, v3, vm0, $0xb8;
	[tilespmem:$0x1C200] =	vst v63  }
0x88: {  	v3 =	vld [tilespmem:$0x40];
	_ =	sdelay $0x4  }
0x89: {  	v36 =	vshll.u32 v3, $0x3  }
0x8a: {  	v3 =	vand.u32 $0x7, v3;
	v4 =	vand.u32 $0xFFFFFFC0, v36  }
0x8b: {  	v3 =	vor.u32 v3, v4  }
0x8c: {  	v4 =	vperm.xlane v3, v0;
	_ =	sdelay $0x1  }
0x8d: {  	v4 =	vadd.s32 v1, v4;
	_ =	sdelay $0x3  }
0x8e: {  	s4 =	simm.s32 $0x10200  }
0x8f: {  	[tilespmem:s4], [sflag:$0x5] =	stream.indirect_vreg.gather [hbm4b:s2+s3], $0x80, v4, vm0, $0xb8;
	[tilespmem:$0x1C200] =	vst v63  }
0x90: {  	s8 =	simm.s32 $0x10A00;
	v3 =	vperm.xlane v3, v2  }
0x91: {  	[tilespmem:s8], [sflag:$0x5] =	stream.indirect_vreg.gather [hbm4b:s5+s3], $0x80, v4, vm0, $0xb8;
	[tilespmem:$0x1C200] =	vst v63  }
0x92: {  	s10 =	simm.s32 $0x11200;
	v3 =	vadd.s32 v1, v3  }
0x93: {  	[tilespmem:s10], [sflag:$0x5] =	stream.indirect_vreg.gather [hbm4b:s6+s3], $0x80, v4, vm0, $0xb8;
	[tilespmem:$0x1C200] =	vst v63  }
0x94: {  	s14 =	simm.s32 $0x11A00  }
0x95: {  	[tilespmem:s14], [sflag:$0x5] =	stream.indirect_vreg.gather [hbm4b:s7+s3], $0x80, v4, vm0, $0xb8;
	[tilespmem:$0x1C200] =	vst v63  }
0x96: {  	s17 =	simm.s32 $0x12200  }
0x97: {  	[tilespmem:s17], [sflag:$0x5] =	stream.indirect_vreg.gather [hbm4b:s2+s3], $0x80, v3, vm0, $0xb8;
	[tilespmem:$0x1C200] =	vst v63  }
0x98: {  	s21 =	simm.s32 $0x12A00  }
0x99: {  	[tilespmem:s21], [sflag:$0x5] =	stream.indirect_vreg.gather [hbm4b:s5+s3], $0x80, v3, vm0, $0xb8;
	[tilespmem:$0x1C200] =	vst v63  }
0x9a: {  	s4 =	simm.s32 $0x13200  }
0x9b: {  	[tilespmem:s4], [sflag:$0x5] =	stream.indirect_vreg.gather [hbm4b:s6+s3], $0x80, v3, vm0, $0xb8;
	[tilespmem:$0x1C200] =	vst v63  }
0x9c: {  	s8 =	simm.s32 $0x13A00  }
0x9d: {  	[tilespmem:s8], [sflag:$0x5] =	stream.indirect_vreg.gather [hbm4b:s7+s3], $0x80, v3, vm0, $0xb8;
	[tilespmem:$0x1C200] =	vst v63  }
0x9e: {  	_ =	swait.ge [sflag:s20], $0x4000  }
0x9f: {  	s10 =	sld [smem:$0x7FC]  }
0xa0: {  	[sflag:s20] =	ssyncset.done $0x0  }
0xa1: {  	s21 =	simm.s32 $0x200;
	[sflag:s20] =	ssyncadd.s32 $0xFFFFC000  }
0xa2: {  	[hbm4b:s10+s3] =	stream.linear.scatter [tilespmem:s21], [sflag:$0x8], $0x4000, $0x38;
	[tilespmem:$0x1C200] =	vst v63  }
0xa3: {  	v3 =	vld [tilespmem:$0x50];
	_ =	sdelay $0x4  }
0xa4: {  	v37 =	vshll.u32 v3, $0x3  }
0xa5: {  	v3 =	vand.u32 $0x7, v3;
	v4 =	vand.u32 $0xFFFFFFC0, v37  }
0xa6: {  	v3 =	vor.u32 v3, v4  }
0xa7: {  	v4 =	vperm.xlane v3, v0;
	_ =	sdelay $0x1  }
0xa8: {  	v4 =	vadd.s32 v1, v4;
	_ =	sdelay $0x3  }
0xa9: {  	s14 =	simm.s32 $0x14200  }
0xaa: {  	[tilespmem:s14], [sflag:$0x6] =	stream.indirect_vreg.gather [hbm4b:s2+s3], $0x80, v4, vm0, $0xb8;
	[tilespmem:$0x1C200] =	vst v63  }
0xab: {  	s17 =	simm.s32 $0x14A00;
	v3 =	vperm.xlane v3, v2  }
0xac: {  	[tilespmem:s17], [sflag:$0x6] =	stream.indirect_vreg.gather [hbm4b:s5+s3], $0x80, v4, vm0, $0xb8;
	[tilespmem:$0x1C200] =	vst v63  }
0xad: {  	s4 =	simm.s32 $0x15200;
	v3 =	vadd.s32 v1, v3  }
0xae: {  	[tilespmem:s4], [sflag:$0x6] =	stream.indirect_vreg.gather [hbm4b:s6+s3], $0x80, v4, vm0, $0xb8;
	[tilespmem:$0x1C200] =	vst v63  }
0xaf: {  	s8 =	simm.s32 $0x15A00  }
0xb0: {  	[tilespmem:s8], [sflag:$0x6] =	stream.indirect_vreg.gather [hbm4b:s7+s3], $0x80, v4, vm0, $0xb8;
	[tilespmem:$0x1C200] =	vst v63  }
0xb1: {  	s10 =	simm.s32 $0x16200  }
0xb2: {  	[tilespmem:s10], [sflag:$0x6] =	stream.indirect_vreg.gather [hbm4b:s2+s3], $0x80, v3, vm0, $0xb8;
	[tilespmem:$0x1C200] =	vst v63  }
0xb3: {  	s14 =	simm.s32 $0x16A00  }
0xb4: {  	[tilespmem:s14], [sflag:$0x6] =	stream.indirect_vreg.gather [hbm4b:s5+s3], $0x80, v3, vm0, $0xb8;
	[tilespmem:$0x1C200] =	vst v63  }
0xb5: {  	s17 =	simm.s32 $0x17200  }
0xb6: {  	[tilespmem:s17], [sflag:$0x6] =	stream.indirect_vreg.gather [hbm4b:s6+s3], $0x80, v3, vm0, $0xb8;
	[tilespmem:$0x1C200] =	vst v63  }
0xb7: {  	s4 =	simm.s32 $0x17A00  }
0xb8: {  	[tilespmem:s4], [sflag:$0x6] =	stream.indirect_vreg.gather [hbm4b:s7+s3], $0x80, v3, vm0, $0xb8;
	[tilespmem:$0x1C200] =	vst v63  }
0xb9: {  	_ =	swait.ge [sflag:s22], $0x4000  }
0xba: {  	[sflag:s22] =	ssyncset.done $0x0  }
0xbb: {  	s1 =	simm.s32 $0x4200;
	s8 =	rddreg [dreg:$0x5];
	[sflag:s22] =	ssyncadd.s32 $0xFFFFC000  }
0xbc: {  	[hbm4b:s8+s3] =	stream.linear.scatter [tilespmem:s1], [sflag:$0x9], $0x4000, $0x38;
	[tilespmem:$0x1C200] =	vst v63  }
0xbd: {  	v3 =	vld [tilespmem:$0x60];
	_ =	sdelay $0x4  }
0xbe: {  	v38 =	vshll.u32 v3, $0x3  }
0xbf: {  	v3 =	vand.u32 $0x7, v3;
	v4 =	vand.u32 $0xFFFFFFC0, v38  }
0xc0: {  	v3 =	vor.u32 v3, v4  }
0xc1: {  	v4 =	vperm.xlane v3, v0;
	_ =	sdelay $0x1  }
0xc2: {  	v4 =	vadd.s32 v1, v4;
	_ =	sdelay $0x3  }
0xc3: {  	s10 =	simm.s32 $0x18200  }
0xc4: {  	[tilespmem:s10], [sflag:$0x7] =	stream.indirect_vreg.gather [hbm4b:s2+s3], $0x80, v4, vm0, $0xb8;
	[tilespmem:$0x1C200] =	vst v63  }
0xc5: {  	s14 =	simm.s32 $0x18A00;
	v3 =	vperm.xlane v3, v2  }
0xc6: {  	[tilespmem:s14], [sflag:$0x7] =	stream.indirect_vreg.gather [hbm4b:s5+s3], $0x80, v4, vm0, $0xb8;
	[tilespmem:$0x1C200] =	vst v63  }
0xc7: {  	s17 =	simm.s32 $0x19200;
	v3 =	vadd.s32 v1, v3  }
0xc8: {  	[tilespmem:s17], [sflag:$0x7] =	stream.indirect_vreg.gather [hbm4b:s6+s3], $0x80, v4, vm0, $0xb8;
	[tilespmem:$0x1C200] =	vst v63  }
0xc9: {  	s8 =	simm.s32 $0x19A00  }
0xca: {  	[tilespmem:s8], [sflag:$0x7] =	stream.indirect_vreg.gather [hbm4b:s7+s3], $0x80, v4, vm0, $0xb8;
	[tilespmem:$0x1C200] =	vst v63  }
0xcb: {  	s10 =	simm.s32 $0x1A200  }
0xcc: {  	[tilespmem:s10], [sflag:$0x7] =	stream.indirect_vreg.gather [hbm4b:s2+s3], $0x80, v3, vm0, $0xb8;
	[tilespmem:$0x1C200] =	vst v63  }
0xcd: {  	s14 =	simm.s32 $0x1AA00  }
0xce: {  	[tilespmem:s14], [sflag:$0x7] =	stream.indirect_vreg.gather [hbm4b:s5+s3], $0x80, v3, vm0, $0xb8;
	[tilespmem:$0x1C200] =	vst v63  }
0xcf: {  	s17 =	simm.s32 $0x1B200  }
0xd0: {  	[tilespmem:s17], [sflag:$0x7] =	stream.indirect_vreg.gather [hbm4b:s6+s3], $0x80, v3, vm0, $0xb8;
	[tilespmem:$0x1C200] =	vst v63  }
0xd1: {  	s8 =	simm.s32 $0x1BA00  }
0xd2: {  	[tilespmem:s8], [sflag:$0x7] =	stream.indirect_vreg.gather [hbm4b:s7+s3], $0x80, v3, vm0, $0xb8;
	[tilespmem:$0x1C200] =	vst v63  }
0xd3: {  	_ =	swait.ge [sflag:s24], $0x4000  }
0xd4: {  	[sflag:s24] =	ssyncset.done $0x0  }
0xd5: {  	s8 =	simm.s32 $0x8200;
	s10 =	rddreg [dreg:$0x6];
	[sflag:s24] =	ssyncadd.s32 $0xFFFFC000  }
0xd6: {  	[hbm4b:s10+s3] =	stream.linear.scatter [tilespmem:s8], [sflag:$0xA], $0x4000, $0x38;
	[tilespmem:$0x1C200] =	vst v63  }
0xd7: {  	_ =	swait.ge [sflag:s25], $0x4000  }
0xd8: {  	[sflag:s25] =	ssyncset.done $0x0  }
0xd9: {  	[sflag:s25] =	ssyncadd.s32 $0xFFFFC000  }
0xda: {  	v3 =	vld [tilespmem:$0x70];
	_ =	sdelay $0x4  }
0xdb: {  	v39 =	vshll.u32 v3, $0x3  }
0xdc: {  	v3 =	vand.u32 $0x7, v3;
	v4 =	vand.u32 $0xFFFFFFC0, v39  }
0xdd: {  	v3 =	vor.u32 v3, v4  }
0xde: {  	v4 =	vperm.xlane v3, v0;
	_ =	sdelay $0x1  }
0xdf: {  	v4 =	vadd.s32 v1, v4;
	_ =	sdelay $0x4  }
0xe0: {  	[tilespmem:s21], [sflag:$0x1] =	stream.indirect_vreg.gather [hbm4b:s2+s3], $0x80, v4, vm0, $0xb8;
	[tilespmem:$0x1C200] =	vst v63  }
0xe1: {  	s13 =	simm.s32 $0xA00;
	v3 =	vperm.xlane v3, v2  }
0xe2: {  	[tilespmem:s13], [sflag:$0x1] =	stream.indirect_vreg.gather [hbm4b:s5+s3], $0x80, v4, vm0, $0xb8;
	[tilespmem:$0x1C200] =	vst v63  }
0xe3: {  	s11 =	simm.s32 $0x1200;
	v3 =	vadd.s32 v1, v3  }
0xe4: {  	[tilespmem:s11], [sflag:$0x1] =	stream.indirect_vreg.gather [hbm4b:s6+s3], $0x80, v4, vm0, $0xb8;
	[tilespmem:$0x1C200] =	vst v63  }
0xe5: {  	s15 =	simm.s32 $0x1A00  }
0xe6: {  	[tilespmem:s15], [sflag:$0x1] =	stream.indirect_vreg.gather [hbm4b:s7+s3], $0x80, v4, vm0, $0xb8;
	[tilespmem:$0x1C200] =	vst v63  }
0xe7: {  	s9 =	simm.s32 $0x2200  }
0xe8: {  	[tilespmem:s9], [sflag:$0x1] =	stream.indirect_vreg.gather [hbm4b:s2+s3], $0x80, v3, vm0, $0xb8;
	[tilespmem:$0x1C200] =	vst v63  }
0xe9: {  	s17 =	simm.s32 $0x2A00  }
0xea: {  	[tilespmem:s17], [sflag:$0x1] =	stream.indirect_vreg.gather [hbm4b:s5+s3], $0x80, v3, vm0, $0xb8;
	[tilespmem:$0x1C200] =	vst v63  }
0xeb: {  	s12 =	simm.s32 $0x3200  }
0xec: {  	[tilespmem:s12], [sflag:$0x1] =	stream.indirect_vreg.gather [hbm4b:s6+s3], $0x80, v3, vm0, $0xb8;
	[tilespmem:$0x1C200] =	vst v63  }
0xed: {  	s4 =	simm.s32 $0x3A00  }
0xee: {  	[tilespmem:s4], [sflag:$0x1] =	stream.indirect_vreg.gather [hbm4b:s7+s3], $0x80, v3, vm0, $0xb8;
	[tilespmem:$0x1C200] =	vst v63  }
0xef: {  	_ =	swait.ge [sflag:s28], $0x4000  }
0xf0: {  	[sflag:s28] =	ssyncset.done $0x0  }
0xf1: {  	s11 =	simm.s32 $0xC200;
	s13 =	rddreg [dreg:$0x7];
	[sflag:s28] =	ssyncadd.s32 $0xFFFFC000  }
0xf2: {  	[hbm4b:s13+s3] =	stream.linear.scatter [tilespmem:s11], [sflag:$0xB], $0x4000, $0x38;
	[tilespmem:$0x1C200] =	vst v63  }
0xf3: {  	_ =	swait.ge [sflag:s29], $0x4000  }
0xf4: {  	[sflag:s29] =	ssyncset.done $0x0  }
0xf5: {  	[sflag:s29] =	ssyncadd.s32 $0xFFFFC000  }
0xf6: {  	v3 =	vld [tilespmem:$0x80];
	_ =	sdelay $0x4  }
0xf7: {  	v40 =	vshll.u32 v3, $0x3  }
0xf8: {  	v3 =	vand.u32 $0x7, v3;
	v4 =	vand.u32 $0xFFFFFFC0, v40  }
0xf9: {  	v3 =	vor.u32 v3, v4  }
0xfa: {  	v4 =	vperm.xlane v3, v0;
	_ =	sdelay $0x1  }
0xfb: {  	v4 =	vadd.s32 v1, v4;
	_ =	sdelay $0x4  }
0xfc: {  	[tilespmem:s1], [sflag:$0x2] =	stream.indirect_vreg.gather [hbm4b:s2+s3], $0x80, v4, vm0, $0xb8;
	[tilespmem:$0x1C200] =	vst v63  }
0xfd: {  	s14 =	simm.s32 $0x4A00;
	v3 =	vperm.xlane v3, v2  }
0xfe: {  	[tilespmem:s14], [sflag:$0x2] =	stream.indirect_vreg.gather [hbm4b:s5+s3], $0x80, v4, vm0, $0xb8;
	[tilespmem:$0x1C200] =	vst v63  }
0xff: {  	s16 =	simm.s32 $0x5200;
	v3 =	vadd.s32 v1, v3  }
0x100: {  	[tilespmem:s16], [sflag:$0x2] =	stream.indirect_vreg.gather [hbm4b:s6+s3], $0x80, v4, vm0, $0xb8;
	[tilespmem:$0x1C200] =	vst v63  }
0x101: {  	s23 =	simm.s32 $0x5A00  }
0x102: {  	[tilespmem:s23], [sflag:$0x2] =	stream.indirect_vreg.gather [hbm4b:s7+s3], $0x80, v4, vm0, $0xb8;
	[tilespmem:$0x1C200] =	vst v63  }
0x103: {  	s18 =	simm.s32 $0x6200  }
0x104: {  	[tilespmem:s18], [sflag:$0x2] =	stream.indirect_vreg.gather [hbm4b:s2+s3], $0x80, v3, vm0, $0xb8;
	[tilespmem:$0x1C200] =	vst v63  }
0x105: {  	s19 =	simm.s32 $0x6A00  }
0x106: {  	[tilespmem:s19], [sflag:$0x2] =	stream.indirect_vreg.gather [hbm4b:s5+s3], $0x80, v3, vm0, $0xb8;
	[tilespmem:$0x1C200] =	vst v63  }
0x107: {  	s23 =	simm.s32 $0x7200  }
0x108: {  	[tilespmem:s23], [sflag:$0x2] =	stream.indirect_vreg.gather [hbm4b:s6+s3], $0x80, v3, vm0, $0xb8;
	[tilespmem:$0x1C200] =	vst v63  }
0x109: {  	s30 =	simm.s32 $0x7A00;
	s1 =	simm.s32 $0x5  }
0x10a: {  	[tilespmem:s30], [sflag:$0x2] =	stream.indirect_vreg.gather [hbm4b:s7+s3], $0x80, v3, vm0, $0xb8;
	[tilespmem:$0x1C200] =	vst v63  }
0x10b: {  	_ =	swait.ge [sflag:s1], $0x4000  }
0x10c: {  	[sflag:s1] =	ssyncset.done $0x0  }
0x10d: {  	s13 =	simm.s32 $0x10200;
	s18 =	rddreg [dreg:$0x8];
	[sflag:s1] =	ssyncadd.s32 $0xFFFFC000  }
0x10e: {  	[hbm4b:s18+s3] =	stream.linear.scatter [tilespmem:s13], [sflag:$0xC], $0x4000, $0x38;
	[tilespmem:$0x1C200] =	vst v63  }
0x10f: {  	_ =	swait.ge [sflag:s31], $0x4000  }
0x110: {  	[sflag:s31] =	ssyncset.done $0x0  }
0x111: {  	[sflag:s31] =	ssyncadd.s32 $0xFFFFC000  }
0x112: {  	v3 =	vld [tilespmem:$0x90];
	_ =	sdelay $0x4  }
0x113: {  	v41 =	vshll.u32 v3, $0x3  }
0x114: {  	v3 =	vand.u32 $0x7, v3;
	v4 =	vand.u32 $0xFFFFFFC0, v41  }
0x115: {  	v3 =	vor.u32 v3, v4  }
0x116: {  	v4 =	vperm.xlane v3, v0;
	_ =	sdelay $0x1  }
0x117: {  	v4 =	vadd.s32 v1, v4;
	_ =	sdelay $0x4  }
0x118: {  	[tilespmem:s8], [sflag:$0x3] =	stream.indirect_vreg.gather [hbm4b:s2+s3], $0x80, v4, vm0, $0xb8;
	[tilespmem:$0x1C200] =	vst v63  }
0x119: {  	s26 =	simm.s32 $0x8A00;
	v3 =	vperm.xlane v3, v2  }
0x11a: {  	[tilespmem:s26], [sflag:$0x3] =	stream.indirect_vreg.gather [hbm4b:s5+s3], $0x80, v4, vm0, $0xb8;
	[tilespmem:$0x1C200] =	vst v63  }
0x11b: {  	s10 =	simm.s32 $0x9200;
	v3 =	vadd.s32 v1, v3  }
0x11c: {  	[tilespmem:s10], [sflag:$0x3] =	stream.indirect_vreg.gather [hbm4b:s6+s3], $0x80, v4, vm0, $0xb8;
	[tilespmem:$0x1C200] =	vst v63  }
0x11d: {  	s18 =	simm.s32 $0x9A00  }
0x11e: {  	[tilespmem:s18], [sflag:$0x3] =	stream.indirect_vreg.gather [hbm4b:s7+s3], $0x80, v4, vm0, $0xb8;
	[tilespmem:$0x1C200] =	vst v63  }
0x11f: {  	s26 =	simm.s32 $0xA200  }
0x120: {  	[tilespmem:s26], [sflag:$0x3] =	stream.indirect_vreg.gather [hbm4b:s2+s3], $0x80, v3, vm0, $0xb8;
	[tilespmem:$0x1C200] =	vst v63  }
0x121: {  	s19 =	simm.s32 $0xAA00  }
0x122: {  	[tilespmem:s19], [sflag:$0x3] =	stream.indirect_vreg.gather [hbm4b:s5+s3], $0x80, v3, vm0, $0xb8;
	[tilespmem:$0x1C200] =	vst v63  }
0x123: {  	s30 =	simm.s32 $0xB200  }
0x124: {  	[tilespmem:s30], [sflag:$0x3] =	stream.indirect_vreg.gather [hbm4b:s6+s3], $0x80, v3, vm0, $0xb8;
	[tilespmem:$0x1C200] =	vst v63  }
0x125: {  	s9 =	simm.s32 $0xBA00  }
0x126: {  	[tilespmem:s9], [sflag:$0x3] =	stream.indirect_vreg.gather [hbm4b:s7+s3], $0x80, v3, vm0, $0xb8;
	[tilespmem:$0x1C200] =	vst v63  }
0x127: {  	s9 =	simm.s32 $0x6  }
0x128: {  	_ =	swait.ge [sflag:s9], $0x4000  }
0x129: {  	[sflag:s9] =	ssyncset.done $0x0  }
0x12a: {  	s8 =	simm.s32 $0x14200;
	s12 =	rddreg [dreg:$0x9];
	[sflag:s9] =	ssyncadd.s32 $0xFFFFC000  }
0x12b: {  	[hbm4b:s12+s3] =	stream.linear.scatter [tilespmem:s8], [sflag:$0xD], $0x4000, $0x38;
	[tilespmem:$0x1C200] =	vst v63  }
0x12c: {  	_ =	swait.ge [sflag:s0], $0x4000  }
0x12d: {  	[sflag:s0] =	ssyncset.done $0x0  }
0x12e: {  	[sflag:s0] =	ssyncadd.s32 $0xFFFFC000  }
0x12f: {  	v3 =	vld [tilespmem:$0xA0];
	_ =	sdelay $0x4  }
0x130: {  	v42 =	vshll.u32 v3, $0x3  }
0x131: {  	v3 =	vand.u32 $0x7, v3;
	v4 =	vand.u32 $0xFFFFFFC0, v42  }
0x132: {  	v3 =	vor.u32 v3, v4  }
0x133: {  	v4 =	vperm.xlane v3, v0;
	_ =	sdelay $0x1  }
0x134: {  	v4 =	vadd.s32 v1, v4;
	_ =	sdelay $0x4  }
0x135: {  	[tilespmem:s11], [sflag:$0x4] =	stream.indirect_vreg.gather [hbm4b:s2+s3], $0x80, v4, vm0, $0xb8;
	[tilespmem:$0x1C200] =	vst v63  }
0x136: {  	s14 =	simm.s32 $0xCA00;
	v3 =	vperm.xlane v3, v2  }
0x137: {  	[tilespmem:s14], [sflag:$0x4] =	stream.indirect_vreg.gather [hbm4b:s5+s3], $0x80, v4, vm0, $0xb8;
	[tilespmem:$0x1C200] =	vst v63  }
0x138: {  	s19 =	simm.s32 $0xD200;
	v3 =	vadd.s32 v1, v3  }
0x139: {  	[tilespmem:s19], [sflag:$0x4] =	stream.indirect_vreg.gather [hbm4b:s6+s3], $0x80, v4, vm0, $0xb8;
	[tilespmem:$0x1C200] =	vst v63  }
0x13a: {  	s30 =	simm.s32 $0xDA00  }
0x13b: {  	[tilespmem:s30], [sflag:$0x4] =	stream.indirect_vreg.gather [hbm4b:s7+s3], $0x80, v4, vm0, $0xb8;
	[tilespmem:$0x1C200] =	vst v63  }
0x13c: {  	s12 =	simm.s32 $0xE200  }
0x13d: {  	[tilespmem:s12], [sflag:$0x4] =	stream.indirect_vreg.gather [hbm4b:s2+s3], $0x80, v3, vm0, $0xb8;
	[tilespmem:$0x1C200] =	vst v63  }
0x13e: {  	s14 =	simm.s32 $0xEA00  }
0x13f: {  	[tilespmem:s14], [sflag:$0x4] =	stream.indirect_vreg.gather [hbm4b:s5+s3], $0x80, v3, vm0, $0xb8;
	[tilespmem:$0x1C200] =	vst v63  }
0x140: {  	s19 =	simm.s32 $0xF200  }
0x141: {  	[tilespmem:s19], [sflag:$0x4] =	stream.indirect_vreg.gather [hbm4b:s6+s3], $0x80, v3, vm0, $0xb8;
	[tilespmem:$0x1C200] =	vst v63  }
0x142: {  	s11 =	simm.s32 $0x7;
	s30 =	simm.s32 $0xFA00  }
0x143: {  	[tilespmem:s30], [sflag:$0x4] =	stream.indirect_vreg.gather [hbm4b:s7+s3], $0x80, v3, vm0, $0xb8;
	[tilespmem:$0x1C200] =	vst v63  }
0x144: {  	_ =	swait.ge [sflag:s11], $0x4000  }
0x145: {  	[sflag:s11] =	ssyncset.done $0x0  }
0x146: {  	s30 =	simm.s32 $0x18200;
	s12 =	rddreg [dreg:$0xa];
	[sflag:s11] =	ssyncadd.s32 $0xFFFFC000  }
0x147: {  	[hbm4b:s12+s3] =	stream.linear.scatter [tilespmem:s30], [sflag:$0xE], $0x4000, $0x38;
	[tilespmem:$0x1C200] =	vst v63  }
0x148: {  	s12 =	simm.s32 $0xC  }
0x149: {  	_ =	swait.ge [sflag:s12], $0x4000  }
0x14a: {  	[sflag:s12] =	ssyncset.done $0x0  }
0x14b: {  	[sflag:s12] =	ssyncadd.s32 $0xFFFFC000  }
0x14c: {  	v3 =	vld [tilespmem:$0xB0];
	_ =	sdelay $0x4  }
0x14d: {  	v43 =	vshll.u32 v3, $0x3  }
0x14e: {  	v3 =	vand.u32 $0x7, v3;
	v4 =	vand.u32 $0xFFFFFFC0, v43  }
0x14f: {  	v3 =	vor.u32 v3, v4  }
0x150: {  	v4 =	vperm.xlane v3, v0;
	_ =	sdelay $0x1  }
0x151: {  	v4 =	vadd.s32 v1, v4;
	_ =	sdelay $0x4  }
0x152: {  	[tilespmem:s13], [sflag:$0x5] =	stream.indirect_vreg.gather [hbm4b:s2+s3], $0x80, v4, vm0, $0xb8;
	[tilespmem:$0x1C200] =	vst v63  }
0x153: {  	s19 =	simm.s32 $0x10A00;
	v3 =	vperm.xlane v3, v2  }
0x154: {  	[tilespmem:s19], [sflag:$0x5] =	stream.indirect_vreg.gather [hbm4b:s5+s3], $0x80, v4, vm0, $0xb8;
	[tilespmem:$0x1C200] =	vst v63  }
0x155: {  	s14 =	simm.s32 $0x11200;
	v3 =	vadd.s32 v1, v3  }
0x156: {  	[tilespmem:s14], [sflag:$0x5] =	stream.indirect_vreg.gather [hbm4b:s6+s3], $0x80, v4, vm0, $0xb8;
	[tilespmem:$0x1C200] =	vst v63  }
0x157: {  	s19 =	simm.s32 $0x11A00  }
0x158: {  	[tilespmem:s19], [sflag:$0x5] =	stream.indirect_vreg.gather [hbm4b:s7+s3], $0x80, v4, vm0, $0xb8;
	[tilespmem:$0x1C200] =	vst v63  }
0x159: {  	s14 =	simm.s32 $0x12200  }
0x15a: {  	[tilespmem:s14], [sflag:$0x5] =	stream.indirect_vreg.gather [hbm4b:s2+s3], $0x80, v3, vm0, $0xb8;
	[tilespmem:$0x1C200] =	vst v63  }
0x15b: {  	s19 =	simm.s32 $0x12A00  }
0x15c: {  	[tilespmem:s19], [sflag:$0x5] =	stream.indirect_vreg.gather [hbm4b:s5+s3], $0x80, v3, vm0, $0xb8;
	[tilespmem:$0x1C200] =	vst v63  }
0x15d: {  	s14 =	simm.s32 $0x13200  }
0x15e: {  	[tilespmem:s14], [sflag:$0x5] =	stream.indirect_vreg.gather [hbm4b:s6+s3], $0x80, v3, vm0, $0xb8;
	[tilespmem:$0x1C200] =	vst v63  }
0x15f: {  	s19 =	simm.s32 $0x13A00  }
0x160: {  	[tilespmem:s19], [sflag:$0x5] =	stream.indirect_vreg.gather [hbm4b:s7+s3], $0x80, v3, vm0, $0xb8;
	[tilespmem:$0x1C200] =	vst v63  }
0x161: {  	_ =	swait.ge [sflag:s20], $0x4000  }
0x162: {  	[sflag:s20] =	ssyncset.done $0x0  }
0x163: {  	s21 =	simm.s32 $0x200;
	s13 =	rddreg [dreg:$0xb];
	[sflag:s20] =	ssyncadd.s32 $0xFFFFC000  }
0x164: {  	[hbm4b:s13+s3] =	stream.linear.scatter [tilespmem:s21], [sflag:$0x8], $0x4000, $0x38;
	[tilespmem:$0x1C200] =	vst v63  }
0x165: {  	s13 =	simm.s32 $0xD  }
0x166: {  	_ =	swait.ge [sflag:s13], $0x4000  }
0x167: {  	[sflag:s13] =	ssyncset.done $0x0  }
0x168: {  	[sflag:s13] =	ssyncadd.s32 $0xFFFFC000  }
0x169: {  	v3 =	vld [tilespmem:$0xC0];
	_ =	sdelay $0x4  }
0x16a: {  	v44 =	vshll.u32 v3, $0x3  }
0x16b: {  	v3 =	vand.u32 $0x7, v3;
	v4 =	vand.u32 $0xFFFFFFC0, v44  }
0x16c: {  	v3 =	vor.u32 v3, v4  }
0x16d: {  	v4 =	vperm.xlane v3, v0;
	_ =	sdelay $0x1  }
0x16e: {  	v4 =	vadd.s32 v1, v4;
	_ =	sdelay $0x4  }
0x16f: {  	[tilespmem:s8], [sflag:$0x6] =	stream.indirect_vreg.gather [hbm4b:s2+s3], $0x80, v4, vm0, $0xb8;
	[tilespmem:$0x1C200] =	vst v63  }
0x170: {  	s19 =	simm.s32 $0x14A00;
	v3 =	vperm.xlane v3, v2  }
0x171: {  	[tilespmem:s19], [sflag:$0x6] =	stream.indirect_vreg.gather [hbm4b:s5+s3], $0x80, v4, vm0, $0xb8;
	[tilespmem:$0x1C200] =	vst v63  }
0x172: {  	s14 =	simm.s32 $0x15200;
	v3 =	vadd.s32 v1, v3  }
0x173: {  	[tilespmem:s14], [sflag:$0x6] =	stream.indirect_vreg.gather [hbm4b:s6+s3], $0x80, v4, vm0, $0xb8;
	[tilespmem:$0x1C200] =	vst v63  }
0x174: {  	s19 =	simm.s32 $0x15A00  }
0x175: {  	[tilespmem:s19], [sflag:$0x6] =	stream.indirect_vreg.gather [hbm4b:s7+s3], $0x80, v4, vm0, $0xb8;
	[tilespmem:$0x1C200] =	vst v63  }
0x176: {  	s14 =	simm.s32 $0x16200  }
0x177: {  	[tilespmem:s14], [sflag:$0x6] =	stream.indirect_vreg.gather [hbm4b:s2+s3], $0x80, v3, vm0, $0xb8;
	[tilespmem:$0x1C200] =	vst v63  }
0x178: {  	s19 =	simm.s32 $0x16A00  }
0x179: {  	[tilespmem:s19], [sflag:$0x6] =	stream.indirect_vreg.gather [hbm4b:s5+s3], $0x80, v3, vm0, $0xb8;
	[tilespmem:$0x1C200] =	vst v63  }
0x17a: {  	s14 =	simm.s32 $0x17200  }
0x17b: {  	[tilespmem:s14], [sflag:$0x6] =	stream.indirect_vreg.gather [hbm4b:s6+s3], $0x80, v3, vm0, $0xb8;
	[tilespmem:$0x1C200] =	vst v63  }
0x17c: {  	s19 =	simm.s32 $0x17A00  }
0x17d: {  	[tilespmem:s19], [sflag:$0x6] =	stream.indirect_vreg.gather [hbm4b:s7+s3], $0x80, v3, vm0, $0xb8;
	[tilespmem:$0x1C200] =	vst v63  }
0x17e: {  	_ =	swait.ge [sflag:s22], $0x4000  }
0x17f: {  	[sflag:s22] =	ssyncset.done $0x0  }
0x180: {  	s15 =	simm.s32 $0x4200;
	s8 =	rddreg [dreg:$0xc];
	[sflag:s22] =	ssyncadd.s32 $0xFFFFC000  }
0x181: {  	[hbm4b:s8+s3] =	stream.linear.scatter [tilespmem:s15], [sflag:$0x9], $0x4000, $0x38;
	[tilespmem:$0x1C200] =	vst v63  }
0x182: {  	s8 =	simm.s32 $0xE  }
0x183: {  	_ =	swait.ge [sflag:s8], $0x4000  }
0x184: {  	[sflag:s8] =	ssyncset.done $0x0  }
0x185: {  	[sflag:s8] =	ssyncadd.s32 $0xFFFFC000  }
0x186: {  	v3 =	vld [tilespmem:$0xD0];
	_ =	sdelay $0x4  }
0x187: {  	v45 =	vshll.u32 v3, $0x3  }
0x188: {  	v3 =	vand.u32 $0x7, v3;
	v4 =	vand.u32 $0xFFFFFFC0, v45  }
0x189: {  	v3 =	vor.u32 v3, v4  }
0x18a: {  	v4 =	vperm.xlane v3, v0;
	_ =	sdelay $0x1  }
0x18b: {  	v4 =	vadd.s32 v1, v4;
	_ =	sdelay $0x4  }
0x18c: {  	[tilespmem:s30], [sflag:$0x7] =	stream.indirect_vreg.gather [hbm4b:s2+s3], $0x80, v4, vm0, $0xb8;
	[tilespmem:$0x1C200] =	vst v63  }
0x18d: {  	s19 =	simm.s32 $0x18A00;
	v3 =	vperm.xlane v3, v2  }
0x18e: {  	[tilespmem:s19], [sflag:$0x7] =	stream.indirect_vreg.gather [hbm4b:s5+s3], $0x80, v4, vm0, $0xb8;
	[tilespmem:$0x1C200] =	vst v63  }
0x18f: {  	v3 =	vadd.s32 v1, v3;
	s19 =	simm.s32 $0x19200  }
0x190: {  	[tilespmem:s19], [sflag:$0x7] =	stream.indirect_vreg.gather [hbm4b:s6+s3], $0x80, v4, vm0, $0xb8;
	[tilespmem:$0x1C200] =	vst v63  }
0x191: {  	s19 =	simm.s32 $0x19A00  }
0x192: {  	[tilespmem:s19], [sflag:$0x7] =	stream.indirect_vreg.gather [hbm4b:s7+s3], $0x80, v4, vm0, $0xb8;
	[tilespmem:$0x1C200] =	vst v63  }
0x193: {  	s19 =	simm.s32 $0x1A200  }
0x194: {  	[tilespmem:s19], [sflag:$0x7] =	stream.indirect_vreg.gather [hbm4b:s2+s3], $0x80, v3, vm0, $0xb8;
	[tilespmem:$0x1C200] =	vst v63  }
0x195: {  	s19 =	simm.s32 $0x1AA00  }
0x196: {  	[tilespmem:s19], [sflag:$0x7] =	stream.indirect_vreg.gather [hbm4b:s5+s3], $0x80, v3, vm0, $0xb8;
	[tilespmem:$0x1C200] =	vst v63  }
0x197: {  	s19 =	simm.s32 $0x1B200  }
0x198: {  	[tilespmem:s19], [sflag:$0x7] =	stream.indirect_vreg.gather [hbm4b:s6+s3], $0x80, v3, vm0, $0xb8;
	[tilespmem:$0x1C200] =	vst v63  }
0x199: {  	s19 =	simm.s32 $0x1BA00  }
0x19a: {  	[tilespmem:s19], [sflag:$0x7] =	stream.indirect_vreg.gather [hbm4b:s7+s3], $0x80, v3, vm0, $0xb8;
	[tilespmem:$0x1C200] =	vst v63  }
0x19b: {  	_ =	swait.ge [sflag:s24], $0x4000  }
0x19c: {  	[sflag:s24] =	ssyncset.done $0x0  }
0x19d: {  	s16 =	simm.s32 $0x8200;
	s19 =	rddreg [dreg:$0xd];
	[sflag:s24] =	ssyncadd.s32 $0xFFFFC000  }
0x19e: {  	[hbm4b:s19+s3] =	stream.linear.scatter [tilespmem:s16], [sflag:$0xA], $0x4000, $0x38;
	[tilespmem:$0x1C200] =	vst v63  }
0x19f: {  	_ =	swait.ge [sflag:s25], $0x4000  }
0x1a0: {  	[sflag:s25] =	ssyncset.done $0x0  }
0x1a1: {  	[sflag:s25] =	ssyncadd.s32 $0xFFFFC000  }
0x1a2: {  	v3 =	vld [tilespmem:$0xE0];
	_ =	sdelay $0x4  }
0x1a3: {  	v46 =	vshll.u32 v3, $0x3  }
0x1a4: {  	v3 =	vand.u32 $0x7, v3;
	v4 =	vand.u32 $0xFFFFFFC0, v46  }
0x1a5: {  	v3 =	vor.u32 v3, v4  }
0x1a6: {  	v4 =	vperm.xlane v3, v0;
	_ =	sdelay $0x1  }
0x1a7: {  	v4 =	vadd.s32 v1, v4;
	_ =	sdelay $0x3  }
0x1a8: {  	s21 =	simm.s32 $0x200  }
0x1a9: {  	[tilespmem:s21], [sflag:$0x1] =	stream.indirect_vreg.gather [hbm4b:s2+s3], $0x80, v4, vm0, $0xb8;
	[tilespmem:$0x1C200] =	vst v63  }
0x1aa: {  	s16 =	simm.s32 $0xA00;
	v3 =	vperm.xlane v3, v2  }
0x1ab: {  	[tilespmem:s16], [sflag:$0x1] =	stream.indirect_vreg.gather [hbm4b:s5+s3], $0x80, v4, vm0, $0xb8;
	[tilespmem:$0x1C200] =	vst v63  }
0x1ac: {  	v3 =	vadd.s32 v1, v3;
	s16 =	simm.s32 $0x1200  }
0x1ad: {  	[tilespmem:s16], [sflag:$0x1] =	stream.indirect_vreg.gather [hbm4b:s6+s3], $0x80, v4, vm0, $0xb8;
	[tilespmem:$0x1C200] =	vst v63  }
0x1ae: {  	s16 =	simm.s32 $0x1A00  }
0x1af: {  	[tilespmem:s16], [sflag:$0x1] =	stream.indirect_vreg.gather [hbm4b:s7+s3], $0x80, v4, vm0, $0xb8;
	[tilespmem:$0x1C200] =	vst v63  }
0x1b0: {  	s16 =	simm.s32 $0x2200  }
0x1b1: {  	[tilespmem:s16], [sflag:$0x1] =	stream.indirect_vreg.gather [hbm4b:s2+s3], $0x80, v3, vm0, $0xb8;
	[tilespmem:$0x1C200] =	vst v63  }
0x1b2: {  	_ = 	snop  }
0x1b3: {  	[tilespmem:s17], [sflag:$0x1] =	stream.indirect_vreg.gather [hbm4b:s5+s3], $0x80, v3, vm0, $0xb8;
	[tilespmem:$0x1C200] =	vst v63  }
0x1b4: {  	s17 =	simm.s32 $0x3200  }
0x1b5: {  	[tilespmem:s17], [sflag:$0x1] =	stream.indirect_vreg.gather [hbm4b:s6+s3], $0x80, v3, vm0, $0xb8;
	[tilespmem:$0x1C200] =	vst v63  }
0x1b6: {  	_ = 	snop  }
0x1b7: {  	[tilespmem:s4], [sflag:$0x1] =	stream.indirect_vreg.gather [hbm4b:s7+s3], $0x80, v3, vm0, $0xb8;
	[tilespmem:$0x1C200] =	vst v63  }
0x1b8: {  	_ =	swait.ge [sflag:s28], $0x4000  }
0x1b9: {  	[sflag:s28] =	ssyncset.done $0x0  }
0x1ba: {  	s16 =	simm.s32 $0xC200;
	s4 =	rddreg [dreg:$0xe];
	[sflag:s28] =	ssyncadd.s32 $0xFFFFC000  }
0x1bb: {  	[hbm4b:s4+s3] =	stream.linear.scatter [tilespmem:s16], [sflag:$0xB], $0x4000, $0x38;
	[tilespmem:$0x1C200] =	vst v63  }
0x1bc: {  	_ =	swait.ge [sflag:s29], $0x4000  }
0x1bd: {  	[sflag:s29] =	ssyncset.done $0x0  }
0x1be: {  	[sflag:s29] =	ssyncadd.s32 $0xFFFFC000  }
0x1bf: {  	v3 =	vld [tilespmem:$0xF0];
	_ =	sdelay $0x4  }
0x1c0: {  	v47 =	vshll.u32 v3, $0x3  }
0x1c1: {  	v3 =	vand.u32 $0x7, v3;
	v4 =	vand.u32 $0xFFFFFFC0, v47  }
0x1c2: {  	v3 =	vor.u32 v3, v4  }
0x1c3: {  	v4 =	vperm.xlane v3, v0;
	_ =	sdelay $0x1  }
0x1c4: {  	v4 =	vadd.s32 v1, v4;
	_ =	sdelay $0x3  }
0x1c5: {  	s15 =	simm.s32 $0x4200  }
0x1c6: {  	[tilespmem:s15], [sflag:$0x2] =	stream.indirect_vreg.gather [hbm4b:s2+s3], $0x80, v4, vm0, $0xb8;
	[tilespmem:$0x1C200] =	vst v63  }
0x1c7: {  	v3 =	vperm.xlane v3, v2;
	s15 =	simm.s32 $0x4A00  }
0x1c8: {  	[tilespmem:s15], [sflag:$0x2] =	stream.indirect_vreg.gather [hbm4b:s5+s3], $0x80, v4, vm0, $0xb8;
	[tilespmem:$0x1C200] =	vst v63  }
0x1c9: {  	s14 =	simm.s32 $0x5200;
	v3 =	vadd.s32 v1, v3  }
0x1ca: {  	[tilespmem:s14], [sflag:$0x2] =	stream.indirect_vreg.gather [hbm4b:s6+s3], $0x80, v4, vm0, $0xb8;
	[tilespmem:$0x1C200] =	vst v63  }
0x1cb: {  	s15 =	simm.s32 $0x5A00  }
0x1cc: {  	[tilespmem:s15], [sflag:$0x2] =	stream.indirect_vreg.gather [hbm4b:s7+s3], $0x80, v4, vm0, $0xb8;
	[tilespmem:$0x1C200] =	vst v63  }
0x1cd: {  	s14 =	simm.s32 $0x6200  }
0x1ce: {  	[tilespmem:s14], [sflag:$0x2] =	stream.indirect_vreg.gather [hbm4b:s2+s3], $0x80, v3, vm0, $0xb8;
	[tilespmem:$0x1C200] =	vst v63  }
0x1cf: {  	s15 =	simm.s32 $0x6A00  }
0x1d0: {  	[tilespmem:s15], [sflag:$0x2] =	stream.indirect_vreg.gather [hbm4b:s5+s3], $0x80, v3, vm0, $0xb8;
	[tilespmem:$0x1C200] =	vst v63  }
0x1d1: {  	_ = 	snop  }
0x1d2: {  	[tilespmem:s23], [sflag:$0x2] =	stream.indirect_vreg.gather [hbm4b:s6+s3], $0x80, v3, vm0, $0xb8;
	[tilespmem:$0x1C200] =	vst v63  }
0x1d3: {  	s15 =	simm.s32 $0x7A00  }
0x1d4: {  	[tilespmem:s15], [sflag:$0x2] =	stream.indirect_vreg.gather [hbm4b:s7+s3], $0x80, v3, vm0, $0xb8;
	[tilespmem:$0x1C200] =	vst v63  }
0x1d5: {  	_ =	swait.ge [sflag:s1], $0x4000  }
0x1d6: {  	[sflag:s1] =	ssyncset.done $0x0  }
0x1d7: {  	s23 =	simm.s32 $0x10200;
	s4 =	rddreg [dreg:$0xf];
	[sflag:s1] =	ssyncadd.s32 $0xFFFFC000  }
0x1d8: {  	[hbm4b:s4+s3] =	stream.linear.scatter [tilespmem:s23], [sflag:$0xC], $0x4000, $0x38;
	[tilespmem:$0x1C200] =	vst v63  }
0x1d9: {  	_ =	swait.ge [sflag:s31], $0x4000  }
0x1da: {  	[sflag:s31] =	ssyncset.done $0x0  }
0x1db: {  	[sflag:s31] =	ssyncadd.s32 $0xFFFFC000  }
0x1dc: {  	v3 =	vld [tilespmem:$0x100];
	_ =	sdelay $0x4  }
0x1dd: {  	v48 =	vshll.u32 v3, $0x3  }
0x1de: {  	v3 =	vand.u32 $0x7, v3;
	v4 =	vand.u32 $0xFFFFFFC0, v48  }
0x1df: {  	v3 =	vor.u32 v3, v4  }
0x1e0: {  	v4 =	vperm.xlane v3, v0;
	_ =	sdelay $0x1  }
0x1e1: {  	v4 =	vadd.s32 v1, v4;
	_ =	sdelay $0x3  }
0x1e2: {  	s19 =	simm.s32 $0x8200  }
0x1e3: {  	[tilespmem:s19], [sflag:$0x3] =	stream.indirect_vreg.gather [hbm4b:s2+s3], $0x80, v4, vm0, $0xb8;
	[tilespmem:$0x1C200] =	vst v63  }
0x1e4: {  	v3 =	vperm.xlane v3, v2;
	s19 =	simm.s32 $0x8A00  }
0x1e5: {  	[tilespmem:s19], [sflag:$0x3] =	stream.indirect_vreg.gather [hbm4b:s5+s3], $0x80, v4, vm0, $0xb8;
	[tilespmem:$0x1C200] =	vst v63  }
0x1e6: {  	v3 =	vadd.s32 v1, v3  }
0x1e7: {  	[tilespmem:s10], [sflag:$0x3] =	stream.indirect_vreg.gather [hbm4b:s6+s3], $0x80, v4, vm0, $0xb8;
	[tilespmem:$0x1C200] =	vst v63  }
0x1e8: {  	_ = 	snop  }
0x1e9: {  	[tilespmem:s18], [sflag:$0x3] =	stream.indirect_vreg.gather [hbm4b:s7+s3], $0x80, v4, vm0, $0xb8;
	[tilespmem:$0x1C200] =	vst v63  }
0x1ea: {  	_ = 	snop  }
0x1eb: {  	[tilespmem:s26], [sflag:$0x3] =	stream.indirect_vreg.gather [hbm4b:s2+s3], $0x80, v3, vm0, $0xb8;
	[tilespmem:$0x1C200] =	vst v63  }
0x1ec: {  	s14 =	simm.s32 $0xAA00  }
0x1ed: {  	[tilespmem:s14], [sflag:$0x3] =	stream.indirect_vreg.gather [hbm4b:s5+s3], $0x80, v3, vm0, $0xb8;
	[tilespmem:$0x1C200] =	vst v63  }
0x1ee: {  	s18 =	simm.s32 $0xB200  }
0x1ef: {  	[tilespmem:s18], [sflag:$0x3] =	stream.indirect_vreg.gather [hbm4b:s6+s3], $0x80, v3, vm0, $0xb8;
	[tilespmem:$0x1C200] =	vst v63  }
0x1f0: {  	s4 =	simm.s32 $0xBA00  }
0x1f1: {  	[tilespmem:s4], [sflag:$0x3] =	stream.indirect_vreg.gather [hbm4b:s7+s3], $0x80, v3, vm0, $0xb8;
	[tilespmem:$0x1C200] =	vst v63  }
0x1f2: {  	_ =	swait.ge [sflag:s9], $0x4000  }
0x1f3: {  	[sflag:s9] =	ssyncset.done $0x0  }
0x1f4: {  	s18 =	simm.s32 $0x14200;
	s19 =	rddreg [dreg:$0x10];
	[sflag:s9] =	ssyncadd.s32 $0xFFFFC000  }
0x1f5: {  	[hbm4b:s19+s3] =	stream.linear.scatter [tilespmem:s18], [sflag:$0xD], $0x4000, $0x38;
	[tilespmem:$0x1C200] =	vst v63  }
0x1f6: {  	_ =	swait.ge [sflag:s0], $0x4000  }
0x1f7: {  	[sflag:s0] =	ssyncset.done $0x0  }
0x1f8: {  	[sflag:s0] =	ssyncadd.s32 $0xFFFFC000  }
0x1f9: {  	v3 =	vld [tilespmem:$0x110];
	_ =	sdelay $0x4  }
0x1fa: {  	v49 =	vshll.u32 v3, $0x3  }
0x1fb: {  	v3 =	vand.u32 $0x7, v3;
	v4 =	vand.u32 $0xFFFFFFC0, v49  }
0x1fc: {  	v3 =	vor.u32 v3, v4  }
0x1fd: {  	v4 =	vperm.xlane v3, v0;
	_ =	sdelay $0x1  }
0x1fe: {  	v4 =	vadd.s32 v1, v4;
	_ =	sdelay $0x3  }
0x1ff: {  	s16 =	simm.s32 $0xC200  }
0x200: {  	[tilespmem:s16], [sflag:$0x4] =	stream.indirect_vreg.gather [hbm4b:s2+s3], $0x80, v4, vm0, $0xb8;
	[tilespmem:$0x1C200] =	vst v63  }
0x201: {  	s26 =	simm.s32 $0xCA00;
	v3 =	vperm.xlane v3, v2  }
0x202: {  	[tilespmem:s26], [sflag:$0x4] =	stream.indirect_vreg.gather [hbm4b:s5+s3], $0x80, v4, vm0, $0xb8;
	[tilespmem:$0x1C200] =	vst v63  }
0x203: {  	s14 =	simm.s32 $0xD200;
	v3 =	vadd.s32 v1, v3  }
0x204: {  	[tilespmem:s14], [sflag:$0x4] =	stream.indirect_vreg.gather [hbm4b:s6+s3], $0x80, v4, vm0, $0xb8;
	[tilespmem:$0x1C200] =	vst v63  }
0x205: {  	s19 =	simm.s32 $0xDA00  }
0x206: {  	[tilespmem:s19], [sflag:$0x4] =	stream.indirect_vreg.gather [hbm4b:s7+s3], $0x80, v4, vm0, $0xb8;
	[tilespmem:$0x1C200] =	vst v63  }
0x207: {  	s26 =	simm.s32 $0xE200  }
0x208: {  	[tilespmem:s26], [sflag:$0x4] =	stream.indirect_vreg.gather [hbm4b:s2+s3], $0x80, v3, vm0, $0xb8;
	[tilespmem:$0x1C200] =	vst v63  }
0x209: {  	s10 =	simm.s32 $0xEA00  }
0x20a: {  	[tilespmem:s10], [sflag:$0x4] =	stream.indirect_vreg.gather [hbm4b:s5+s3], $0x80, v3, vm0, $0xb8;
	[tilespmem:$0x1C200] =	vst v63  }
0x20b: {  	s14 =	simm.s32 $0xF200  }
0x20c: {  	[tilespmem:s14], [sflag:$0x4] =	stream.indirect_vreg.gather [hbm4b:s6+s3], $0x80, v3, vm0, $0xb8;
	[tilespmem:$0x1C200] =	vst v63  }
0x20d: {  	s19 =	simm.s32 $0xFA00  }
0x20e: {  	[tilespmem:s19], [sflag:$0x4] =	stream.indirect_vreg.gather [hbm4b:s7+s3], $0x80, v3, vm0, $0xb8;
	[tilespmem:$0x1C200] =	vst v63  }
0x20f: {  	_ =	swait.ge [sflag:s11], $0x4000  }
0x210: {  	[sflag:s11] =	ssyncset.done $0x0  }
0x211: {  	s26 =	rddreg [dreg:$0x11];
	[sflag:s11] =	ssyncadd.s32 $0xFFFFC000  }
0x212: {  	[hbm4b:s26+s3] =	stream.linear.scatter [tilespmem:s30], [sflag:$0xE], $0x4000, $0x38;
	[tilespmem:$0x1C200] =	vst v63  }
0x213: {  	_ =	swait.ge [sflag:s12], $0x4000  }
0x214: {  	[sflag:s12] =	ssyncset.done $0x0  }
0x215: {  	[sflag:s12] =	ssyncadd.s32 $0xFFFFC000  }
0x216: {  	v3 =	vld [tilespmem:$0x120];
	_ =	sdelay $0x4  }
0x217: {  	v50 =	vshll.u32 v3, $0x3  }
0x218: {  	v3 =	vand.u32 $0x7, v3;
	v4 =	vand.u32 $0xFFFFFFC0, v50  }
0x219: {  	v3 =	vor.u32 v3, v4  }
0x21a: {  	v4 =	vperm.xlane v3, v0;
	_ =	sdelay $0x1  }
0x21b: {  	v4 =	vadd.s32 v1, v4;
	_ =	sdelay $0x4  }
0x21c: {  	[tilespmem:s23], [sflag:$0x5] =	stream.indirect_vreg.gather [hbm4b:s2+s3], $0x80, v4, vm0, $0xb8;
	[tilespmem:$0x1C200] =	vst v63  }
0x21d: {  	s30 =	simm.s32 $0x10A00;
	v3 =	vperm.xlane v3, v2  }
0x21e: {  	[tilespmem:s30], [sflag:$0x5] =	stream.indirect_vreg.gather [hbm4b:s5+s3], $0x80, v4, vm0, $0xb8;
	[tilespmem:$0x1C200] =	vst v63  }
0x21f: {  	s19 =	simm.s32 $0x11200;
	v3 =	vadd.s32 v1, v3  }
0x220: {  	[tilespmem:s19], [sflag:$0x5] =	stream.indirect_vreg.gather [hbm4b:s6+s3], $0x80, v4, vm0, $0xb8;
	[tilespmem:$0x1C200] =	vst v63  }
0x221: {  	s26 =	simm.s32 $0x11A00  }
0x222: {  	[tilespmem:s26], [sflag:$0x5] =	stream.indirect_vreg.gather [hbm4b:s7+s3], $0x80, v4, vm0, $0xb8;
	[tilespmem:$0x1C200] =	vst v63  }
0x223: {  	s30 =	simm.s32 $0x12200  }
0x224: {  	[tilespmem:s30], [sflag:$0x5] =	stream.indirect_vreg.gather [hbm4b:s2+s3], $0x80, v3, vm0, $0xb8;
	[tilespmem:$0x1C200] =	vst v63  }
0x225: {  	s19 =	simm.s32 $0x12A00  }
0x226: {  	[tilespmem:s19], [sflag:$0x5] =	stream.indirect_vreg.gather [hbm4b:s5+s3], $0x80, v3, vm0, $0xb8;
	[tilespmem:$0x1C200] =	vst v63  }
0x227: {  	s26 =	simm.s32 $0x13200  }
0x228: {  	[tilespmem:s26], [sflag:$0x5] =	stream.indirect_vreg.gather [hbm4b:s6+s3], $0x80, v3, vm0, $0xb8;
	[tilespmem:$0x1C200] =	vst v63  }
0x229: {  	s30 =	simm.s32 $0x13A00  }
0x22a: {  	[tilespmem:s30], [sflag:$0x5] =	stream.indirect_vreg.gather [hbm4b:s7+s3], $0x80, v3, vm0, $0xb8;
	[tilespmem:$0x1C200] =	vst v63  }
0x22b: {  	_ =	swait.ge [sflag:s20], $0x4000  }
0x22c: {  	[sflag:s20] =	ssyncset.done $0x0  }
0x22d: {  	s19 =	rddreg [dreg:$0x12];
	[sflag:s20] =	ssyncadd.s32 $0xFFFFC000  }
0x22e: {  	[hbm4b:s19+s3] =	stream.linear.scatter [tilespmem:s21], [sflag:$0x8], $0x4000, $0x38;
	[tilespmem:$0x1C200] =	vst v63  }
0x22f: {  	_ =	swait.ge [sflag:s13], $0x4000  }
0x230: {  	[sflag:s13] =	ssyncset.done $0x0  }
0x231: {  	[sflag:s13] =	ssyncadd.s32 $0xFFFFC000  }
0x232: {  	v3 =	vld [tilespmem:$0x130];
	_ =	sdelay $0x4  }
0x233: {  	v51 =	vshll.u32 v3, $0x3  }
0x234: {  	v3 =	vand.u32 $0x7, v3;
	v4 =	vand.u32 $0xFFFFFFC0, v51  }
0x235: {  	v3 =	vor.u32 v3, v4  }
0x236: {  	v4 =	vperm.xlane v3, v0;
	_ =	sdelay $0x1  }
0x237: {  	v4 =	vadd.s32 v1, v4;
	_ =	sdelay $0x4  }
0x238: {  	[tilespmem:s18], [sflag:$0x6] =	stream.indirect_vreg.gather [hbm4b:s2+s3], $0x80, v4, vm0, $0xb8;
	[tilespmem:$0x1C200] =	vst v63  }
0x239: {  	s26 =	simm.s32 $0x14A00;
	v3 =	vperm.xlane v3, v2  }
0x23a: {  	[tilespmem:s26], [sflag:$0x6] =	stream.indirect_vreg.gather [hbm4b:s5+s3], $0x80, v4, vm0, $0xb8;
	[tilespmem:$0x1C200] =	vst v63  }
0x23b: {  	s30 =	simm.s32 $0x15200;
	v3 =	vadd.s32 v1, v3  }
0x23c: {  	[tilespmem:s30], [sflag:$0x6] =	stream.indirect_vreg.gather [hbm4b:s6+s3], $0x80, v4, vm0, $0xb8;
	[tilespmem:$0x1C200] =	vst v63  }
0x23d: {  	s18 =	simm.s32 $0x15A00  }
0x23e: {  	[tilespmem:s18], [sflag:$0x6] =	stream.indirect_vreg.gather [hbm4b:s7+s3], $0x80, v4, vm0, $0xb8;
	[tilespmem:$0x1C200] =	vst v63  }
0x23f: {  	s19 =	simm.s32 $0x16200  }
0x240: {  	[tilespmem:s19], [sflag:$0x6] =	stream.indirect_vreg.gather [hbm4b:s2+s3], $0x80, v3, vm0, $0xb8;
	[tilespmem:$0x1C200] =	vst v63  }
0x241: {  	s30 =	simm.s32 $0x16A00  }
0x242: {  	[tilespmem:s30], [sflag:$0x6] =	stream.indirect_vreg.gather [hbm4b:s5+s3], $0x80, v3, vm0, $0xb8;
	[tilespmem:$0x1C200] =	vst v63  }
0x243: {  	s18 =	simm.s32 $0x17200  }
0x244: {  	[tilespmem:s18], [sflag:$0x6] =	stream.indirect_vreg.gather [hbm4b:s6+s3], $0x80, v3, vm0, $0xb8;
	[tilespmem:$0x1C200] =	vst v63  }
0x245: {  	s19 =	simm.s32 $0x17A00  }
0x246: {  	[tilespmem:s19], [sflag:$0x6] =	stream.indirect_vreg.gather [hbm4b:s7+s3], $0x80, v3, vm0, $0xb8;
	[tilespmem:$0x1C200] =	vst v63  }
0x247: {  	_ =	swait.ge [sflag:s22], $0x4000  }
0x248: {  	[sflag:s22] =	ssyncset.done $0x0  }
0x249: {  	s18 =	simm.s32 $0x4200;
	s30 =	rddreg [dreg:$0x13];
	[sflag:s22] =	ssyncadd.s32 $0xFFFFC000  }
0x24a: {  	[hbm4b:s30+s3] =	stream.linear.scatter [tilespmem:s18], [sflag:$0x9], $0x4000, $0x38;
	[tilespmem:$0x1C200] =	vst v63  }
0x24b: {  	_ =	swait.ge [sflag:s8], $0x4000  }
0x24c: {  	[sflag:s8] =	ssyncset.done $0x0  }
0x24d: {  	[sflag:s8] =	ssyncadd.s32 $0xFFFFC000  }
0x24e: {  	v3 =	vld [tilespmem:$0x140];
	_ =	sdelay $0x4  }
0x24f: {  	v52 =	vshll.u32 v3, $0x3  }
0x250: {  	v3 =	vand.u32 $0x7, v3;
	v4 =	vand.u32 $0xFFFFFFC0, v52  }
0x251: {  	v3 =	vor.u32 v3, v4  }
0x252: {  	v4 =	vperm.xlane v3, v0;
	_ =	sdelay $0x1  }
0x253: {  	v4 =	vadd.s32 v1, v4;
	_ =	sdelay $0x3  }
0x254: {  	s10 =	simm.s32 $0x18200  }
0x255: {  	[tilespmem:s10], [sflag:$0x7] =	stream.indirect_vreg.gather [hbm4b:s2+s3], $0x80, v4, vm0, $0xb8;
	[tilespmem:$0x1C200] =	vst v63  }
0x256: {  	v3 =	vperm.xlane v3, v2;
	s10 =	simm.s32 $0x18A00  }
0x257: {  	[tilespmem:s10], [sflag:$0x7] =	stream.indirect_vreg.gather [hbm4b:s5+s3], $0x80, v4, vm0, $0xb8;
	[tilespmem:$0x1C200] =	vst v63  }
0x258: {  	s19 =	simm.s32 $0x19200;
	v3 =	vadd.s32 v1, v3  }
0x259: {  	[tilespmem:s19], [sflag:$0x7] =	stream.indirect_vreg.gather [hbm4b:s6+s3], $0x80, v4, vm0, $0xb8;
	[tilespmem:$0x1C200] =	vst v63  }
0x25a: {  	s30 =	simm.s32 $0x19A00  }
0x25b: {  	[tilespmem:s30], [sflag:$0x7] =	stream.indirect_vreg.gather [hbm4b:s7+s3], $0x80, v4, vm0, $0xb8;
	[tilespmem:$0x1C200] =	vst v63  }
0x25c: {  	s10 =	simm.s32 $0x1A200  }
0x25d: {  	[tilespmem:s10], [sflag:$0x7] =	stream.indirect_vreg.gather [hbm4b:s2+s3], $0x80, v3, vm0, $0xb8;
	[tilespmem:$0x1C200] =	vst v63  }
0x25e: {  	s19 =	simm.s32 $0x1AA00  }
0x25f: {  	[tilespmem:s19], [sflag:$0x7] =	stream.indirect_vreg.gather [hbm4b:s5+s3], $0x80, v3, vm0, $0xb8;
	[tilespmem:$0x1C200] =	vst v63  }
0x260: {  	s30 =	simm.s32 $0x1B200  }
0x261: {  	[tilespmem:s30], [sflag:$0x7] =	stream.indirect_vreg.gather [hbm4b:s6+s3], $0x80, v3, vm0, $0xb8;
	[tilespmem:$0x1C200] =	vst v63  }
0x262: {  	s10 =	simm.s32 $0x1BA00  }
0x263: {  	[tilespmem:s10], [sflag:$0x7] =	stream.indirect_vreg.gather [hbm4b:s7+s3], $0x80, v3, vm0, $0xb8;
	[tilespmem:$0x1C200] =	vst v63  }
0x264: {  	_ =	swait.ge [sflag:s24], $0x4000  }
0x265: {  	[sflag:s24] =	ssyncset.done $0x0  }
0x266: {  	s10 =	simm.s32 $0x8200;
	s19 =	rddreg [dreg:$0x14];
	[sflag:s24] =	ssyncadd.s32 $0xFFFFC000  }
0x267: {  	[hbm4b:s19+s3] =	stream.linear.scatter [tilespmem:s10], [sflag:$0xA], $0x4000, $0x38;
	[tilespmem:$0x1C200] =	vst v63  }
0x268: {  	_ =	swait.ge [sflag:s25], $0x4000  }
0x269: {  	[sflag:s25] =	ssyncset.done $0x0  }
0x26a: {  	[sflag:s25] =	ssyncadd.s32 $0xFFFFC000  }
0x26b: {  	v3 =	vld [tilespmem:$0x150];
	_ =	sdelay $0x4  }
0x26c: {  	v53 =	vshll.u32 v3, $0x3  }
0x26d: {  	v3 =	vand.u32 $0x7, v3;
	v4 =	vand.u32 $0xFFFFFFC0, v53  }
0x26e: {  	v3 =	vor.u32 v3, v4  }
0x26f: {  	v4 =	vperm.xlane v3, v0;
	_ =	sdelay $0x1  }
0x270: {  	v4 =	vadd.s32 v1, v4;
	_ =	sdelay $0x4  }
0x271: {  	[tilespmem:s21], [sflag:$0x1] =	stream.indirect_vreg.gather [hbm4b:s2+s3], $0x80, v4, vm0, $0xb8;
	[tilespmem:$0x1C200] =	vst v63  }
0x272: {  	v3 =	vperm.xlane v3, v2;
	s21 =	simm.s32 $0xA00  }
0x273: {  	[tilespmem:s21], [sflag:$0x1] =	stream.indirect_vreg.gather [hbm4b:s5+s3], $0x80, v4, vm0, $0xb8;
	[tilespmem:$0x1C200] =	vst v63  }
0x274: {  	s30 =	simm.s32 $0x1200;
	v3 =	vadd.s32 v1, v3  }
0x275: {  	[tilespmem:s30], [sflag:$0x1] =	stream.indirect_vreg.gather [hbm4b:s6+s3], $0x80, v4, vm0, $0xb8;
	[tilespmem:$0x1C200] =	vst v63  }
0x276: {  	s19 =	simm.s32 $0x1A00  }
0x277: {  	[tilespmem:s19], [sflag:$0x1] =	stream.indirect_vreg.gather [hbm4b:s7+s3], $0x80, v4, vm0, $0xb8;
	[tilespmem:$0x1C200] =	vst v63  }
0x278: {  	s21 =	simm.s32 $0x2200  }
0x279: {  	[tilespmem:s21], [sflag:$0x1] =	stream.indirect_vreg.gather [hbm4b:s2+s3], $0x80, v3, vm0, $0xb8;
	[tilespmem:$0x1C200] =	vst v63  }
0x27a: {  	s19 =	simm.s32 $0x2A00  }
0x27b: {  	[tilespmem:s19], [sflag:$0x1] =	stream.indirect_vreg.gather [hbm4b:s5+s3], $0x80, v3, vm0, $0xb8;
	[tilespmem:$0x1C200] =	vst v63  }
0x27c: {  	_ = 	snop  }
0x27d: {  	[tilespmem:s17], [sflag:$0x1] =	stream.indirect_vreg.gather [hbm4b:s6+s3], $0x80, v3, vm0, $0xb8;
	[tilespmem:$0x1C200] =	vst v63  }
0x27e: {  	s17 =	simm.s32 $0x3A00  }
0x27f: {  	[tilespmem:s17], [sflag:$0x1] =	stream.indirect_vreg.gather [hbm4b:s7+s3], $0x80, v3, vm0, $0xb8;
	[tilespmem:$0x1C200] =	vst v63  }
0x280: {  	_ =	swait.ge [sflag:s28], $0x4000  }
0x281: {  	[sflag:s28] =	ssyncset.done $0x0  }
0x282: {  	s30 =	rddreg [dreg:$0x15];
	[sflag:s28] =	ssyncadd.s32 $0xFFFFC000  }
0x283: {  	[hbm4b:s30+s3] =	stream.linear.scatter [tilespmem:s16], [sflag:$0xB], $0x4000, $0x38;
	[tilespmem:$0x1C200] =	vst v63  }
0x284: {  	_ =	swait.ge [sflag:s29], $0x4000  }
0x285: {  	[sflag:s29] =	ssyncset.done $0x0  }
0x286: {  	[sflag:s29] =	ssyncadd.s32 $0xFFFFC000  }
0x287: {  	v3 =	vld [tilespmem:$0x160];
	_ =	sdelay $0x4  }
0x288: {  	v54 =	vshll.u32 v3, $0x3  }
0x289: {  	v3 =	vand.u32 $0x7, v3;
	v4 =	vand.u32 $0xFFFFFFC0, v54  }
0x28a: {  	v3 =	vor.u32 v3, v4  }
0x28b: {  	v4 =	vperm.xlane v3, v0;
	_ =	sdelay $0x1  }
0x28c: {  	v4 =	vadd.s32 v1, v4;
	_ =	sdelay $0x4  }
0x28d: {  	[tilespmem:s18], [sflag:$0x2] =	stream.indirect_vreg.gather [hbm4b:s2+s3], $0x80, v4, vm0, $0xb8;
	[tilespmem:$0x1C200] =	vst v63  }
0x28e: {  	s21 =	simm.s32 $0x4A00;
	v3 =	vperm.xlane v3, v2  }
0x28f: {  	[tilespmem:s21], [sflag:$0x2] =	stream.indirect_vreg.gather [hbm4b:s5+s3], $0x80, v4, vm0, $0xb8;
	[tilespmem:$0x1C200] =	vst v63  }
0x290: {  	s30 =	simm.s32 $0x5200;
	v3 =	vadd.s32 v1, v3  }
0x291: {  	[tilespmem:s30], [sflag:$0x2] =	stream.indirect_vreg.gather [hbm4b:s6+s3], $0x80, v4, vm0, $0xb8;
	[tilespmem:$0x1C200] =	vst v63  }
0x292: {  	s18 =	simm.s32 $0x5A00  }
0x293: {  	[tilespmem:s18], [sflag:$0x2] =	stream.indirect_vreg.gather [hbm4b:s7+s3], $0x80, v4, vm0, $0xb8;
	[tilespmem:$0x1C200] =	vst v63  }
0x294: {  	s21 =	simm.s32 $0x6200  }
0x295: {  	[tilespmem:s21], [sflag:$0x2] =	stream.indirect_vreg.gather [hbm4b:s2+s3], $0x80, v3, vm0, $0xb8;
	[tilespmem:$0x1C200] =	vst v63  }
0x296: {  	s30 =	simm.s32 $0x6A00  }
0x297: {  	[tilespmem:s30], [sflag:$0x2] =	stream.indirect_vreg.gather [hbm4b:s5+s3], $0x80, v3, vm0, $0xb8;
	[tilespmem:$0x1C200] =	vst v63  }
0x298: {  	s21 =	simm.s32 $0x7200  }
0x299: {  	[tilespmem:s21], [sflag:$0x2] =	stream.indirect_vreg.gather [hbm4b:s6+s3], $0x80, v3, vm0, $0xb8;
	[tilespmem:$0x1C200] =	vst v63  }
0x29a: {  	_ = 	snop  }
0x29b: {  	[tilespmem:s15], [sflag:$0x2] =	stream.indirect_vreg.gather [hbm4b:s7+s3], $0x80, v3, vm0, $0xb8;
	[tilespmem:$0x1C200] =	vst v63  }
0x29c: {  	_ =	swait.ge [sflag:s1], $0x4000  }
0x29d: {  	[sflag:s1] =	ssyncset.done $0x0  }
0x29e: {  	s23 =	simm.s32 $0x10200;
	s18 =	rddreg [dreg:$0x16];
	[sflag:s1] =	ssyncadd.s32 $0xFFFFC000  }
0x29f: {  	[hbm4b:s18+s3] =	stream.linear.scatter [tilespmem:s23], [sflag:$0xC], $0x4000, $0x38;
	[tilespmem:$0x1C200] =	vst v63  }
0x2a0: {  	_ =	swait.ge [sflag:s31], $0x4000  }
0x2a1: {  	[sflag:s31] =	ssyncset.done $0x0  }
0x2a2: {  	[sflag:s31] =	ssyncadd.s32 $0xFFFFC000  }
0x2a3: {  	v3 =	vld [tilespmem:$0x170];
	_ =	sdelay $0x4  }
0x2a4: {  	v55 =	vshll.u32 v3, $0x3  }
0x2a5: {  	v3 =	vand.u32 $0x7, v3;
	v4 =	vand.u32 $0xFFFFFFC0, v55  }
0x2a6: {  	v3 =	vor.u32 v3, v4  }
0x2a7: {  	v4 =	vperm.xlane v3, v0;
	_ =	sdelay $0x1  }
0x2a8: {  	v4 =	vadd.s32 v1, v4;
	_ =	sdelay $0x4  }
0x2a9: {  	[tilespmem:s10], [sflag:$0x3] =	stream.indirect_vreg.gather [hbm4b:s2+s3], $0x80, v4, vm0, $0xb8;
	[tilespmem:$0x1C200] =	vst v63  }
0x2aa: {  	s30 =	simm.s32 $0x8A00;
	v3 =	vperm.xlane v3, v2  }
0x2ab: {  	[tilespmem:s30], [sflag:$0x3] =	stream.indirect_vreg.gather [hbm4b:s5+s3], $0x80, v4, vm0, $0xb8;
	[tilespmem:$0x1C200] =	vst v63  }
0x2ac: {  	s15 =	simm.s32 $0x9200;
	v3 =	vadd.s32 v1, v3  }
0x2ad: {  	[tilespmem:s15], [sflag:$0x3] =	stream.indirect_vreg.gather [hbm4b:s6+s3], $0x80, v4, vm0, $0xb8;
	[tilespmem:$0x1C200] =	vst v63  }
0x2ae: {  	s23 =	simm.s32 $0x9A00  }
0x2af: {  	[tilespmem:s23], [sflag:$0x3] =	stream.indirect_vreg.gather [hbm4b:s7+s3], $0x80, v4, vm0, $0xb8;
	[tilespmem:$0x1C200] =	vst v63  }
0x2b0: {  	s30 =	simm.s32 $0xA200  }
0x2b1: {  	[tilespmem:s30], [sflag:$0x3] =	stream.indirect_vreg.gather [hbm4b:s2+s3], $0x80, v3, vm0, $0xb8;
	[tilespmem:$0x1C200] =	vst v63  }
0x2b2: {  	s23 =	simm.s32 $0xAA00  }
0x2b3: {  	[tilespmem:s23], [sflag:$0x3] =	stream.indirect_vreg.gather [hbm4b:s5+s3], $0x80, v3, vm0, $0xb8;
	[tilespmem:$0x1C200] =	vst v63  }
0x2b4: {  	s30 =	simm.s32 $0xB200  }
0x2b5: {  	[tilespmem:s30], [sflag:$0x3] =	stream.indirect_vreg.gather [hbm4b:s6+s3], $0x80, v3, vm0, $0xb8;
	[tilespmem:$0x1C200] =	vst v63  }
0x2b6: {  	_ = 	snop  }
0x2b7: {  	[tilespmem:s4], [sflag:$0x3] =	stream.indirect_vreg.gather [hbm4b:s7+s3], $0x80, v3, vm0, $0xb8;
	[tilespmem:$0x1C200] =	vst v63  }
0x2b8: {  	_ =	swait.ge [sflag:s9], $0x4000  }
0x2b9: {  	[sflag:s9] =	ssyncset.done $0x0  }
0x2ba: {  	s15 =	simm.s32 $0x14200;
	s4 =	rddreg [dreg:$0x17];
	[sflag:s9] =	ssyncadd.s32 $0xFFFFC000  }
0x2bb: {  	[hbm4b:s4+s3] =	stream.linear.scatter [tilespmem:s15], [sflag:$0xD], $0x4000, $0x38;
	[tilespmem:$0x1C200] =	vst v63  }
0x2bc: {  	_ =	swait.ge [sflag:s0], $0x4000  }
0x2bd: {  	[sflag:s0] =	ssyncset.done $0x0  }
0x2be: {  	[sflag:s0] =	ssyncadd.s32 $0xFFFFC000  }
0x2bf: {  	v3 =	vld [tilespmem:$0x180];
	_ =	sdelay $0x4  }
0x2c0: {  	v56 =	vshll.u32 v3, $0x3  }
0x2c1: {  	v3 =	vand.u32 $0x7, v3;
	v4 =	vand.u32 $0xFFFFFFC0, v56  }
0x2c2: {  	v3 =	vor.u32 v3, v4  }
0x2c3: {  	v4 =	vperm.xlane v3, v0;
	_ =	sdelay $0x1  }
0x2c4: {  	v4 =	vadd.s32 v1, v4;
	_ =	sdelay $0x4  }
0x2c5: {  	[tilespmem:s16], [sflag:$0x4] =	stream.indirect_vreg.gather [hbm4b:s2+s3], $0x80, v4, vm0, $0xb8;
	[tilespmem:$0x1C200] =	vst v63  }
0x2c6: {  	v3 =	vperm.xlane v3, v2;
	s16 =	simm.s32 $0xCA00  }
0x2c7: {  	[tilespmem:s16], [sflag:$0x4] =	stream.indirect_vreg.gather [hbm4b:s5+s3], $0x80, v4, vm0, $0xb8;
	[tilespmem:$0x1C200] =	vst v63  }
0x2c8: {  	s14 =	simm.s32 $0xD200;
	v3 =	vadd.s32 v1, v3  }
0x2c9: {  	[tilespmem:s14], [sflag:$0x4] =	stream.indirect_vreg.gather [hbm4b:s6+s3], $0x80, v4, vm0, $0xb8;
	[tilespmem:$0x1C200] =	vst v63  }
0x2ca: {  	s16 =	simm.s32 $0xDA00  }
0x2cb: {  	[tilespmem:s16], [sflag:$0x4] =	stream.indirect_vreg.gather [hbm4b:s7+s3], $0x80, v4, vm0, $0xb8;
	[tilespmem:$0x1C200] =	vst v63  }
0x2cc: {  	s4 =	simm.s32 $0xE200  }
0x2cd: {  	[tilespmem:s4], [sflag:$0x4] =	stream.indirect_vreg.gather [hbm4b:s2+s3], $0x80, v3, vm0, $0xb8;
	[tilespmem:$0x1C200] =	vst v63  }
0x2ce: {  	s16 =	simm.s32 $0xEA00  }
0x2cf: {  	[tilespmem:s16], [sflag:$0x4] =	stream.indirect_vreg.gather [hbm4b:s5+s3], $0x80, v3, vm0, $0xb8;
	[tilespmem:$0x1C200] =	vst v63  }
0x2d0: {  	s14 =	simm.s32 $0xF200  }
0x2d1: {  	[tilespmem:s14], [sflag:$0x4] =	stream.indirect_vreg.gather [hbm4b:s6+s3], $0x80, v3, vm0, $0xb8;
	[tilespmem:$0x1C200] =	vst v63  }
0x2d2: {  	s16 =	simm.s32 $0xFA00  }
0x2d3: {  	[tilespmem:s16], [sflag:$0x4] =	stream.indirect_vreg.gather [hbm4b:s7+s3], $0x80, v3, vm0, $0xb8;
	[tilespmem:$0x1C200] =	vst v63  }
0x2d4: {  	_ =	swait.ge [sflag:s11], $0x4000  }
0x2d5: {  	[sflag:s11] =	ssyncset.done $0x0  }
0x2d6: {  	s16 =	simm.s32 $0x18200;
	s4 =	rddreg [dreg:$0x18];
	[sflag:s11] =	ssyncadd.s32 $0xFFFFC000  }
0x2d7: {  	[hbm4b:s4+s3] =	stream.linear.scatter [tilespmem:s16], [sflag:$0xE], $0x4000, $0x38;
	[tilespmem:$0x1C200] =	vst v63  }
0x2d8: {  	_ =	swait.ge [sflag:s12], $0x4000  }
0x2d9: {  	[sflag:s12] =	ssyncset.done $0x0  }
0x2da: {  	[sflag:s12] =	ssyncadd.s32 $0xFFFFC000  }
0x2db: {  	v3 =	vld [tilespmem:$0x190];
	_ =	sdelay $0x4  }
0x2dc: {  	v57 =	vshll.u32 v3, $0x3  }
0x2dd: {  	v3 =	vand.u32 $0x7, v3;
	v4 =	vand.u32 $0xFFFFFFC0, v57  }
0x2de: {  	v3 =	vor.u32 v3, v4  }
0x2df: {  	v4 =	vperm.xlane v3, v0;
	_ =	sdelay $0x1  }
0x2e0: {  	v4 =	vadd.s32 v1, v4;
	_ =	sdelay $0x3  }
0x2e1: {  	s18 =	simm.s32 $0x10200  }
0x2e2: {  	[tilespmem:s18], [sflag:$0x5] =	stream.indirect_vreg.gather [hbm4b:s2+s3], $0x80, v4, vm0, $0xb8;
	[tilespmem:$0x1C200] =	vst v63  }
0x2e3: {  	s14 =	simm.s32 $0x10A00;
	v3 =	vperm.xlane v3, v2  }
0x2e4: {  	[tilespmem:s14], [sflag:$0x5] =	stream.indirect_vreg.gather [hbm4b:s5+s3], $0x80, v4, vm0, $0xb8;
	[tilespmem:$0x1C200] =	vst v63  }
0x2e5: {  	v3 =	vadd.s32 v1, v3;
	s14 =	simm.s32 $0x11200  }
0x2e6: {  	[tilespmem:s14], [sflag:$0x5] =	stream.indirect_vreg.gather [hbm4b:s6+s3], $0x80, v4, vm0, $0xb8;
	[tilespmem:$0x1C200] =	vst v63  }
0x2e7: {  	s14 =	simm.s32 $0x11A00  }
0x2e8: {  	[tilespmem:s14], [sflag:$0x5] =	stream.indirect_vreg.gather [hbm4b:s7+s3], $0x80, v4, vm0, $0xb8;
	[tilespmem:$0x1C200] =	vst v63  }
0x2e9: {  	s14 =	simm.s32 $0x12200  }
0x2ea: {  	[tilespmem:s14], [sflag:$0x5] =	stream.indirect_vreg.gather [hbm4b:s2+s3], $0x80, v3, vm0, $0xb8;
	[tilespmem:$0x1C200] =	vst v63  }
0x2eb: {  	s14 =	simm.s32 $0x12A00  }
0x2ec: {  	[tilespmem:s14], [sflag:$0x5] =	stream.indirect_vreg.gather [hbm4b:s5+s3], $0x80, v3, vm0, $0xb8;
	[tilespmem:$0x1C200] =	vst v63  }
0x2ed: {  	s14 =	simm.s32 $0x13200  }
0x2ee: {  	[tilespmem:s14], [sflag:$0x5] =	stream.indirect_vreg.gather [hbm4b:s6+s3], $0x80, v3, vm0, $0xb8;
	[tilespmem:$0x1C200] =	vst v63  }
0x2ef: {  	s14 =	simm.s32 $0x13A00  }
0x2f0: {  	[tilespmem:s14], [sflag:$0x5] =	stream.indirect_vreg.gather [hbm4b:s7+s3], $0x80, v3, vm0, $0xb8;
	[tilespmem:$0x1C200] =	vst v63  }
0x2f1: {  	_ =	swait.ge [sflag:s20], $0x4000  }
0x2f2: {  	[sflag:s20] =	ssyncset.done $0x0  }
0x2f3: {  	s4 =	simm.s32 $0x200;
	s14 =	rddreg [dreg:$0x19];
	[sflag:s20] =	ssyncadd.s32 $0xFFFFC000  }
0x2f4: {  	[hbm4b:s14+s3] =	stream.linear.scatter [tilespmem:s4], [sflag:$0x8], $0x4000, $0x38;
	[tilespmem:$0x1C200] =	vst v63  }
0x2f5: {  	_ =	swait.ge [sflag:s13], $0x4000  }
0x2f6: {  	[sflag:s13] =	ssyncset.done $0x0  }
0x2f7: {  	[sflag:s13] =	ssyncadd.s32 $0xFFFFC000  }
0x2f8: {  	v3 =	vld [tilespmem:$0x1A0];
	_ =	sdelay $0x4  }
0x2f9: {  	v58 =	vshll.u32 v3, $0x3  }
0x2fa: {  	v3 =	vand.u32 $0x7, v3;
	v4 =	vand.u32 $0xFFFFFFC0, v58  }
0x2fb: {  	v3 =	vor.u32 v3, v4  }
0x2fc: {  	v4 =	vperm.xlane v3, v0;
	_ =	sdelay $0x1  }
0x2fd: {  	v4 =	vadd.s32 v1, v4;
	_ =	sdelay $0x3  }
0x2fe: {  	s15 =	simm.s32 $0x14200  }
0x2ff: {  	[tilespmem:s15], [sflag:$0x6] =	stream.indirect_vreg.gather [hbm4b:s2+s3], $0x80, v4, vm0, $0xb8;
	[tilespmem:$0x1C200] =	vst v63  }
0x300: {  	s14 =	simm.s32 $0x14A00;
	v3 =	vperm.xlane v3, v2  }
0x301: {  	[tilespmem:s14], [sflag:$0x6] =	stream.indirect_vreg.gather [hbm4b:s5+s3], $0x80, v4, vm0, $0xb8;
	[tilespmem:$0x1C200] =	vst v63  }
0x302: {  	s26 =	simm.s32 $0x15200;
	v3 =	vadd.s32 v1, v3  }
0x303: {  	[tilespmem:s26], [sflag:$0x6] =	stream.indirect_vreg.gather [hbm4b:s6+s3], $0x80, v4, vm0, $0xb8;
	[tilespmem:$0x1C200] =	vst v63  }
0x304: {  	s26 =	simm.s32 $0x15A00  }
0x305: {  	[tilespmem:s26], [sflag:$0x6] =	stream.indirect_vreg.gather [hbm4b:s7+s3], $0x80, v4, vm0, $0xb8;
	[tilespmem:$0x1C200] =	vst v63  }
0x306: {  	s26 =	simm.s32 $0x16200  }
0x307: {  	[tilespmem:s26], [sflag:$0x6] =	stream.indirect_vreg.gather [hbm4b:s2+s3], $0x80, v3, vm0, $0xb8;
	[tilespmem:$0x1C200] =	vst v63  }
0x308: {  	s26 =	simm.s32 $0x16A00  }
0x309: {  	[tilespmem:s26], [sflag:$0x6] =	stream.indirect_vreg.gather [hbm4b:s5+s3], $0x80, v3, vm0, $0xb8;
	[tilespmem:$0x1C200] =	vst v63  }
0x30a: {  	s26 =	simm.s32 $0x17200  }
0x30b: {  	[tilespmem:s26], [sflag:$0x6] =	stream.indirect_vreg.gather [hbm4b:s6+s3], $0x80, v3, vm0, $0xb8;
	[tilespmem:$0x1C200] =	vst v63  }
0x30c: {  	s26 =	simm.s32 $0x17A00  }
0x30d: {  	[tilespmem:s26], [sflag:$0x6] =	stream.indirect_vreg.gather [hbm4b:s7+s3], $0x80, v3, vm0, $0xb8;
	[tilespmem:$0x1C200] =	vst v63  }
0x30e: {  	_ =	swait.ge [sflag:s22], $0x4000  }
0x30f: {  	[sflag:s22] =	ssyncset.done $0x0  }
0x310: {  	s26 =	simm.s32 $0x4200;
	s14 =	rddreg [dreg:$0x1a];
	[sflag:s22] =	ssyncadd.s32 $0xFFFFC000  }
0x311: {  	[hbm4b:s14+s3] =	stream.linear.scatter [tilespmem:s26], [sflag:$0x9], $0x4000, $0x38;
	[tilespmem:$0x1C200] =	vst v63  }
0x312: {  	_ =	swait.ge [sflag:s8], $0x4000  }
0x313: {  	[sflag:s8] =	ssyncset.done $0x0  }
0x314: {  	[sflag:s8] =	ssyncadd.s32 $0xFFFFC000  }
0x315: {  	v3 =	vld [tilespmem:$0x1B0];
	_ =	sdelay $0x4  }
0x316: {  	v59 =	vshll.u32 v3, $0x3  }
0x317: {  	v3 =	vand.u32 $0x7, v3;
	v4 =	vand.u32 $0xFFFFFFC0, v59  }
0x318: {  	v3 =	vor.u32 v3, v4  }
0x319: {  	v4 =	vperm.xlane v3, v0;
	_ =	sdelay $0x1  }
0x31a: {  	v4 =	vadd.s32 v1, v4;
	_ =	sdelay $0x4  }
0x31b: {  	[tilespmem:s16], [sflag:$0x7] =	stream.indirect_vreg.gather [hbm4b:s2+s3], $0x80, v4, vm0, $0xb8;
	[tilespmem:$0x1C200] =	vst v63  }
0x31c: {  	s14 =	simm.s32 $0x18A00;
	v3 =	vperm.xlane v3, v2  }
0x31d: {  	[tilespmem:s14], [sflag:$0x7] =	stream.indirect_vreg.gather [hbm4b:s5+s3], $0x80, v4, vm0, $0xb8;
	[tilespmem:$0x1C200] =	vst v63  }
0x31e: {  	v3 =	vadd.s32 v1, v3;
	s14 =	simm.s32 $0x19200  }
0x31f: {  	[tilespmem:s14], [sflag:$0x7] =	stream.indirect_vreg.gather [hbm4b:s6+s3], $0x80, v4, vm0, $0xb8;
	[tilespmem:$0x1C200] =	vst v63  }
0x320: {  	s14 =	simm.s32 $0x19A00  }
0x321: {  	[tilespmem:s14], [sflag:$0x7] =	stream.indirect_vreg.gather [hbm4b:s7+s3], $0x80, v4, vm0, $0xb8;
	[tilespmem:$0x1C200] =	vst v63  }
0x322: {  	s14 =	simm.s32 $0x1A200  }
0x323: {  	[tilespmem:s14], [sflag:$0x7] =	stream.indirect_vreg.gather [hbm4b:s2+s3], $0x80, v3, vm0, $0xb8;
	[tilespmem:$0x1C200] =	vst v63  }
0x324: {  	s14 =	simm.s32 $0x1AA00  }
0x325: {  	[tilespmem:s14], [sflag:$0x7] =	stream.indirect_vreg.gather [hbm4b:s5+s3], $0x80, v3, vm0, $0xb8;
	[tilespmem:$0x1C200] =	vst v63  }
0x326: {  	s14 =	simm.s32 $0x1B200  }
0x327: {  	[tilespmem:s14], [sflag:$0x7] =	stream.indirect_vreg.gather [hbm4b:s6+s3], $0x80, v3, vm0, $0xb8;
	[tilespmem:$0x1C200] =	vst v63  }
0x328: {  	s14 =	simm.s32 $0x1BA00  }
0x329: {  	[tilespmem:s14], [sflag:$0x7] =	stream.indirect_vreg.gather [hbm4b:s7+s3], $0x80, v3, vm0, $0xb8;
	[tilespmem:$0x1C200] =	vst v63  }
0x32a: {  	_ =	swait.ge [sflag:s24], $0x4000  }
0x32b: {  	[sflag:s24] =	ssyncset.done $0x0  }
0x32c: {  	s10 =	simm.s32 $0x8200;
	s14 =	rddreg [dreg:$0x1b];
	[sflag:s24] =	ssyncadd.s32 $0xFFFFC000  }
0x32d: {  	[hbm4b:s14+s3] =	stream.linear.scatter [tilespmem:s10], [sflag:$0xA], $0x4000, $0x38;
	[tilespmem:$0x1C200] =	vst v63  }
0x32e: {  	_ =	swait.ge [sflag:s25], $0x4000  }
0x32f: {  	[sflag:s25] =	ssyncset.done $0x0  }
0x330: {  	[sflag:s25] =	ssyncadd.s32 $0xFFFFC000  }
0x331: {  	v3 =	vld [tilespmem:$0x1C0];
	_ =	sdelay $0x4  }
0x332: {  	v60 =	vshll.u32 v3, $0x3  }
0x333: {  	v3 =	vand.u32 $0x7, v3;
	v4 =	vand.u32 $0xFFFFFFC0, v60  }
0x334: {  	v3 =	vor.u32 v3, v4  }
0x335: {  	v4 =	vperm.xlane v3, v0;
	_ =	sdelay $0x1  }
0x336: {  	v4 =	vadd.s32 v1, v4;
	_ =	sdelay $0x4  }
0x337: {  	[tilespmem:s4], [sflag:$0x1] =	stream.indirect_vreg.gather [hbm4b:s2+s3], $0x80, v4, vm0, $0xb8;
	[tilespmem:$0x1C200] =	vst v63  }
0x338: {  	s14 =	simm.s32 $0xA00;
	v3 =	vperm.xlane v3, v2  }
0x339: {  	[tilespmem:s14], [sflag:$0x1] =	stream.indirect_vreg.gather [hbm4b:s5+s3], $0x80, v4, vm0, $0xb8;
	[tilespmem:$0x1C200] =	vst v63  }
0x33a: {  	v3 =	vadd.s32 v1, v3;
	s14 =	simm.s32 $0x1200  }
0x33b: {  	[tilespmem:s14], [sflag:$0x1] =	stream.indirect_vreg.gather [hbm4b:s6+s3], $0x80, v4, vm0, $0xb8;
	[tilespmem:$0x1C200] =	vst v63  }
0x33c: {  	s14 =	simm.s32 $0x1A00  }
0x33d: {  	[tilespmem:s14], [sflag:$0x1] =	stream.indirect_vreg.gather [hbm4b:s7+s3], $0x80, v4, vm0, $0xb8;
	[tilespmem:$0x1C200] =	vst v63  }
0x33e: {  	s14 =	simm.s32 $0x2200  }
0x33f: {  	[tilespmem:s14], [sflag:$0x1] =	stream.indirect_vreg.gather [hbm4b:s2+s3], $0x80, v3, vm0, $0xb8;
	[tilespmem:$0x1C200] =	vst v63  }
0x340: {  	_ = 	snop  }
0x341: {  	[tilespmem:s19], [sflag:$0x1] =	stream.indirect_vreg.gather [hbm4b:s5+s3], $0x80, v3, vm0, $0xb8;
	[tilespmem:$0x1C200] =	vst v63  }
0x342: {  	s19 =	simm.s32 $0x3200  }
0x343: {  	[tilespmem:s19], [sflag:$0x1] =	stream.indirect_vreg.gather [hbm4b:s6+s3], $0x80, v3, vm0, $0xb8;
	[tilespmem:$0x1C200] =	vst v63  }
0x344: {  	_ = 	snop  }
0x345: {  	[tilespmem:s17], [sflag:$0x1] =	stream.indirect_vreg.gather [hbm4b:s7+s3], $0x80, v3, vm0, $0xb8;
	[tilespmem:$0x1C200] =	vst v63  }
0x346: {  	_ =	swait.ge [sflag:s28], $0x4000  }
0x347: {  	[sflag:s28] =	ssyncset.done $0x0  }
0x348: {  	s17 =	simm.s32 $0xC200;
	s19 =	rddreg [dreg:$0x1c];
	[sflag:s28] =	ssyncadd.s32 $0xFFFFC000  }
0x349: {  	[hbm4b:s19+s3] =	stream.linear.scatter [tilespmem:s17], [sflag:$0xB], $0x4000, $0x38;
	[tilespmem:$0x1C200] =	vst v63  }
0x34a: {  	_ =	swait.ge [sflag:s29], $0x4000  }
0x34b: {  	[sflag:s29] =	ssyncset.done $0x0  }
0x34c: {  	[sflag:s29] =	ssyncadd.s32 $0xFFFFC000  }
0x34d: {  	v3 =	vld [tilespmem:$0x1D0];
	_ =	sdelay $0x4  }
0x34e: {  	v61 =	vshll.u32 v3, $0x3  }
0x34f: {  	v3 =	vand.u32 $0x7, v3;
	v4 =	vand.u32 $0xFFFFFFC0, v61  }
0x350: {  	v3 =	vor.u32 v3, v4  }
0x351: {  	v4 =	vperm.xlane v3, v0;
	_ =	sdelay $0x1  }
0x352: {  	v4 =	vadd.s32 v1, v4;
	_ =	sdelay $0x4  }
0x353: {  	[tilespmem:s26], [sflag:$0x2] =	stream.indirect_vreg.gather [hbm4b:s2+s3], $0x80, v4, vm0, $0xb8;
	[tilespmem:$0x1C200] =	vst v63  }
0x354: {  	v3 =	vperm.xlane v3, v2;
	s26 =	simm.s32 $0x4A00  }
0x355: {  	[tilespmem:s26], [sflag:$0x2] =	stream.indirect_vreg.gather [hbm4b:s5+s3], $0x80, v4, vm0, $0xb8;
	[tilespmem:$0x1C200] =	vst v63  }
0x356: {  	v3 =	vadd.s32 v1, v3;
	s26 =	simm.s32 $0x5200  }
0x357: {  	[tilespmem:s26], [sflag:$0x2] =	stream.indirect_vreg.gather [hbm4b:s6+s3], $0x80, v4, vm0, $0xb8;
	[tilespmem:$0x1C200] =	vst v63  }
0x358: {  	s26 =	simm.s32 $0x5A00  }
0x359: {  	[tilespmem:s26], [sflag:$0x2] =	stream.indirect_vreg.gather [hbm4b:s7+s3], $0x80, v4, vm0, $0xb8;
	[tilespmem:$0x1C200] =	vst v63  }
0x35a: {  	s26 =	simm.s32 $0x6200  }
0x35b: {  	[tilespmem:s26], [sflag:$0x2] =	stream.indirect_vreg.gather [hbm4b:s2+s3], $0x80, v3, vm0, $0xb8;
	[tilespmem:$0x1C200] =	vst v63  }
0x35c: {  	s26 =	simm.s32 $0x6A00  }
0x35d: {  	[tilespmem:s26], [sflag:$0x2] =	stream.indirect_vreg.gather [hbm4b:s5+s3], $0x80, v3, vm0, $0xb8;
	[tilespmem:$0x1C200] =	vst v63  }
0x35e: {  	_ = 	snop  }
0x35f: {  	[tilespmem:s21], [sflag:$0x2] =	stream.indirect_vreg.gather [hbm4b:s6+s3], $0x80, v3, vm0, $0xb8;
	[tilespmem:$0x1C200] =	vst v63  }
0x360: {  	s21 =	simm.s32 $0x7A00  }
0x361: {  	[tilespmem:s21], [sflag:$0x2] =	stream.indirect_vreg.gather [hbm4b:s7+s3], $0x80, v3, vm0, $0xb8;
	[tilespmem:$0x1C200] =	vst v63  }
0x362: {  	_ =	swait.ge [sflag:s1], $0x4000  }
0x363: {  	[sflag:s1] =	ssyncset.done $0x0  }
0x364: {  	s26 =	rddreg [dreg:$0x1d];
	[sflag:s1] =	ssyncadd.s32 $0xFFFFC000  }
0x365: {  	[hbm4b:s26+s3] =	stream.linear.scatter [tilespmem:s18], [sflag:$0xC], $0x4000, $0x38;
	[tilespmem:$0x1C200] =	vst v63  }
0x366: {  	_ =	swait.ge [sflag:s31], $0x4000  }
0x367: {  	[sflag:s31] =	ssyncset.done $0x0  }
0x368: {  	[sflag:s31] =	ssyncadd.s32 $0xFFFFC000  }
0x369: {  	v3 =	vld [tilespmem:$0x1E0];
	_ =	sdelay $0x4  }
0x36a: {  	v62 =	vshll.u32 v3, $0x3  }
0x36b: {  	v3 =	vand.u32 $0x7, v3;
	v4 =	vand.u32 $0xFFFFFFC0, v62  }
0x36c: {  	v3 =	vor.u32 v3, v4  }
0x36d: {  	v4 =	vperm.xlane v3, v0;
	_ =	sdelay $0x1  }
0x36e: {  	v4 =	vadd.s32 v1, v4;
	_ =	sdelay $0x4  }
0x36f: {  	[tilespmem:s10], [sflag:$0x3] =	stream.indirect_vreg.gather [hbm4b:s2+s3], $0x80, v4, vm0, $0xb8;
	[tilespmem:$0x1C200] =	vst v63  }
0x370: {  	s14 =	simm.s32 $0x8A00;
	v3 =	vperm.xlane v3, v2  }
0x371: {  	[tilespmem:s14], [sflag:$0x3] =	stream.indirect_vreg.gather [hbm4b:s5+s3], $0x80, v4, vm0, $0xb8;
	[tilespmem:$0x1C200] =	vst v63  }
0x372: {  	s18 =	simm.s32 $0x9200;
	v3 =	vadd.s32 v1, v3  }
0x373: {  	[tilespmem:s18], [sflag:$0x3] =	stream.indirect_vreg.gather [hbm4b:s6+s3], $0x80, v4, vm0, $0xb8;
	[tilespmem:$0x1C200] =	vst v63  }
0x374: {  	s21 =	simm.s32 $0x9A00  }
0x375: {  	[tilespmem:s21], [sflag:$0x3] =	stream.indirect_vreg.gather [hbm4b:s7+s3], $0x80, v4, vm0, $0xb8;
	[tilespmem:$0x1C200] =	vst v63  }
0x376: {  	s26 =	simm.s32 $0xA200  }
0x377: {  	[tilespmem:s26], [sflag:$0x3] =	stream.indirect_vreg.gather [hbm4b:s2+s3], $0x80, v3, vm0, $0xb8;
	[tilespmem:$0x1C200] =	vst v63  }
0x378: {  	_ = 	snop  }
0x379: {  	[tilespmem:s23], [sflag:$0x3] =	stream.indirect_vreg.gather [hbm4b:s5+s3], $0x80, v3, vm0, $0xb8;
	[tilespmem:$0x1C200] =	vst v63  }
0x37a: {  	_ = 	snop  }
0x37b: {  	[tilespmem:s30], [sflag:$0x3] =	stream.indirect_vreg.gather [hbm4b:s6+s3], $0x80, v3, vm0, $0xb8;
	[tilespmem:$0x1C200] =	vst v63  }
0x37c: {  	s30 =	simm.s32 $0xBA00  }
0x37d: {  	[tilespmem:s30], [sflag:$0x3] =	stream.indirect_vreg.gather [hbm4b:s7+s3], $0x80, v3, vm0, $0xb8;
	[tilespmem:$0x1C200] =	vst v63  }
0x37e: {  	_ =	swait.ge [sflag:s9], $0x4000  }
0x37f: {  	[sflag:s9] =	ssyncset.done $0x0  }
0x380: {  	s1 =	rddreg [dreg:$0x1e];
	[sflag:s9] =	ssyncadd.s32 $0xFFFFC000  }
0x381: {  	[hbm4b:s1+s3] =	stream.linear.scatter [tilespmem:s15], [sflag:$0xD], $0x4000, $0x38;
	[tilespmem:$0x1C200] =	vst v63  }
0x382: {  	_ =	swait.ge [sflag:s0], $0x4000  }
0x383: {  	[sflag:s0] =	ssyncset.done $0x0  }
0x384: {  	[sflag:s0] =	ssyncadd.s32 $0xFFFFC000  }
0x385: {  	v3 =	vld [tilespmem:$0x1F0];
	_ =	sdelay $0x4  }
0x386: {  	v63 =	vshll.u32 v3, $0x3  }
0x387: {  	v3 =	vand.u32 $0x7, v3;
	v4 =	vand.u32 $0xFFFFFFC0, v63  }
0x388: {  	v3 =	vor.u32 v3, v4  }
0x389: {  	v4 =	vperm.xlane v3, v0;
	_ =	sdelay $0x1  }
0x38a: {  	v4 =	vadd.s32 v1, v4;
	_ =	sdelay $0x4  }
0x38b: {  	[tilespmem:s17], [sflag:$0x4] =	stream.indirect_vreg.gather [hbm4b:s2+s3], $0x80, v4, vm0, $0xb8;
	[tilespmem:$0x1C200] =	vst v63  }
0x38c: {  	s18 =	simm.s32 $0xCA00;
	v3 =	vperm.xlane v3, v2  }
0x38d: {  	[tilespmem:s18], [sflag:$0x4] =	stream.indirect_vreg.gather [hbm4b:s5+s3], $0x80, v4, vm0, $0xb8;
	[tilespmem:$0x1C200] =	vst v63  }
0x38e: {  	s21 =	simm.s32 $0xD200;
	v3 =	vadd.s32 v1, v3  }
0x38f: {  	[tilespmem:s21], [sflag:$0x4] =	stream.indirect_vreg.gather [hbm4b:s6+s3], $0x80, v4, vm0, $0xb8;
	[tilespmem:$0x1C200] =	vst v63  }
0x390: {  	s23 =	simm.s32 $0xDA00  }
0x391: {  	[tilespmem:s23], [sflag:$0x4] =	stream.indirect_vreg.gather [hbm4b:s7+s3], $0x80, v4, vm0, $0xb8;
	[tilespmem:$0x1C200] =	vst v63  }
0x392: {  	s26 =	simm.s32 $0xE200  }
0x393: {  	[tilespmem:s26], [sflag:$0x4] =	stream.indirect_vreg.gather [hbm4b:s2+s3], $0x80, v3, vm0, $0xb8;
	[tilespmem:$0x1C200] =	vst v63  }
0x394: {  	s30 =	simm.s32 $0xEA00  }
0x395: {  	[tilespmem:s30], [sflag:$0x4] =	stream.indirect_vreg.gather [hbm4b:s5+s3], $0x80, v3, vm0, $0xb8;
	[tilespmem:$0x1C200] =	vst v63  }
0x396: {  	s14 =	simm.s32 $0xF200  }
0x397: {  	[tilespmem:s14], [sflag:$0x4] =	stream.indirect_vreg.gather [hbm4b:s6+s3], $0x80, v3, vm0, $0xb8;
	[tilespmem:$0x1C200] =	vst v63  }
0x398: {  	s15 =	simm.s32 $0xFA00  }
0x399: {  	[tilespmem:s15], [sflag:$0x4] =	stream.indirect_vreg.gather [hbm4b:s7+s3], $0x80, v3, vm0, $0xb8;
	[tilespmem:$0x1C200] =	vst v63  }
0x39a: {  	_ =	swait.ge [sflag:s11], $0x4000  }
0x39b: {  	[sflag:s11] =	ssyncset.done $0x0  }
0x39c: {  	s16 =	simm.s32 $0x18200;
	s17 =	rddreg [dreg:$0x1f];
	[sflag:s11] =	ssyncadd.s32 $0xFFFFC000  }
0x39d: {  	[hbm4b:s17+s3] =	stream.linear.scatter [tilespmem:s16], [sflag:$0xE], $0x4000, $0x38;
	[tilespmem:$0x1C200] =	vst v63  }
0x39e: {  	_ =	swait.ge [sflag:s20], $0x4000  }
0x39f: {  	s18 =	sld [smem:$0x7F9]  }
0x3a0: {  	[sflag:s20] =	ssyncset.done $0x0  }
0x3a1: {  	s4 =	simm.s32 $0x200;
	[sflag:s20] =	ssyncadd.s32 $0xFFFFC000  }
0x3a2: {  	[hbm4b:s18+s3] =	stream.linear.scatter [tilespmem:s4], [sflag:$0x8], $0x4000, $0x38;
	[tilespmem:$0x1C200] =	vst v63  }
0x3a3: {  	_ =	swait.ge [sflag:s22], $0x4000  }
0x3a4: {  	s21 =	sld [smem:$0x7FA]  }
0x3a5: {  	[sflag:s22] =	ssyncset.done $0x0  }
0x3a6: {  	s19 =	simm.s32 $0x4200;
	[sflag:s22] =	ssyncadd.s32 $0xFFFFC000  }
0x3a7: {  	[hbm4b:s21+s3] =	stream.linear.scatter [tilespmem:s19], [sflag:$0x9], $0x4000, $0x38;
	[tilespmem:$0x1C200] =	vst v63  }
0x3a8: {  	_ =	swait.ge [sflag:s24], $0x4000  }
0x3a9: {  	s23 =	sld [smem:$0x7FB]  }
0x3aa: {  	[sflag:s24] =	ssyncset.done $0x0  }
0x3ab: {  	[sflag:s24] =	ssyncadd.s32 $0xFFFFC000  }
0x3ac: {  	[hbm4b:s23+s3] =	stream.linear.scatter [tilespmem:s10], [sflag:$0xA], $0x4000, $0x38;
	[tilespmem:$0x1C200] =	vst v63  }
0x3ad: {  	_ =	swait.ge [sflag:s28], $0x4000  }
0x3ae: {  	s26 =	sld [smem:$0x7FD]  }
0x3af: {  	[sflag:s28] =	ssyncset.done $0x0  }
0x3b0: {  	s1 =	simm.s32 $0xC200;
	[sflag:s28] =	ssyncadd.s32 $0xFFFFC000  }
0x3b1: {  	[hbm4b:s26+s3] =	stream.linear.scatter [tilespmem:s1], [sflag:$0xB], $0x4000, $0x38;
	[tilespmem:$0x1C200] =	vst v63  }
0x3b2: {  	s30 =	sld [smem:$0x7F8];
	_ =	swait.ge [sflag:s12], $0x4000  }
0x3b3: {  	[sflag:s12] =	ssyncset.done $0x0  }
0x3b4: {  	[sflag:s12] =	ssyncadd.s32 $0xFFFFC000  }
0x3b5: {  	_ =	swait.ge [sflag:s13], $0x4000  }
0x3b6: {  	[sflag:s13] =	ssyncset.done $0x0  }
0x3b7: {  	[sflag:s13] =	ssyncadd.s32 $0xFFFFC000  }
0x3b8: {  	_ =	swait.ge [sflag:s8], $0x4000  }
0x3b9: {  	[sflag:s8] =	ssyncset.done $0x0  }
0x3ba: {  	[sflag:s8] =	ssyncadd.s32 $0xFFFFC000  }
0x3bb: {  	_ =	swait.ge [sflag:s25], $0x4000  }
0x3bc: {  	[sflag:s25] =	ssyncset.done $0x0  }
0x3bd: {  	[sflag:s25] =	ssyncadd.s32 $0xFFFFC000  }
0x3be: {  	_ =	swait.ge [sflag:s29], $0x4000  }
0x3bf: {  	[sflag:s29] =	ssyncset.done $0x0  }
0x3c0: {  	[sflag:s29] =	ssyncadd.s32 $0xFFFFC000  }
0x3c1: {  	p0 =	sne.s32 s30, $0x1;
	_ =	swait.ge [sflag:s31], $0x4000  }
.Ltmp0:
0x3c2: {  	[sflag:s31] =	ssyncset.done $0x0;
	(pc) =	sbr.rel @p0 .LBB2_1-.Ltmp0, $4  }
0x3c3: {  	[sflag:s31] =	ssyncadd.s32 $0xFFFFC000  }
0x3c4: {  	_ =	swait.ge [sflag:s0], $0x4000  }
0x3c5: {  	[sflag:s0] =	ssyncset.done $0x0  }
0x3c6: {  	s1 =	sadd.s32 $0xFFFFFFFF, s30;
	[sflag:s0] =	ssyncadd.s32 $0xFFFFC000  }
0x3c7: {  	_ =	sfence.sel $0x180000  }
0x3c8: {  	[bflag:$0x0] =	sbarrier.arrive $0xFFFF  }
0x3c9: {  	_ =	strace $0x90000047  }
0x3ca: {  	s0 =	stileid.u32;
	[bflag:$0x2] =	sbarrier.arrive $0xFFFF  }
0x3cb: {  	p0 =	sne.s32 s0, $0x0;
	s0 =	rddreg [dreg:$0x3]  }
0x3cc: {  	s0 =	sadd.s32 @!p0 $0x100000, s0  }
0x3cd: {  	[sflag:s0] =	ssyncadd.tile.s32 @!p0 $0x1;
	_ =	shalt  }
.Lfunc_end2:
_tile_overlayer_lowered:
.L_overlay_start_2:
0x3ce: {  	(tag) =	ssettag $0x2  }
0x3cf: {  	s0 =	rddreg [dreg:$0x0];
	s2 =	stileid.u32  }
0x3d0: {  	s1 =	rddreg [dreg:$0x1];
	p0 =	sne.s32 s2, $0x0  }
0x3d1: {  	s3 =	rddreg [dreg:$0x2];
	[bflag:$0x3] =	sbarrier.arrive $0xFFFF;
	s2 =	simm.s32 @!p0 $0x1C0F  }
0x3d2: {  	[timem:s3], [sflag:s2] =	dma.local @!p0 [hbm:s0], s1  }
0x3d3: {  	s0 =	simm.s32 @!p0 $0xF  }
0x3d4: {  	_ =	swait.ge @!p0 [sflag:s0], s1  }
0x3d5: {  	s1 =	ssub.s32 @!p0 $0x0, s1;
	[sflag:s0] =	ssyncset.done @!p0 $0x0  }
0x3d6: {  	[sflag:s0] =	ssyncadd.s32 @!p0 s1  }
0x3d7: {  	[bflag:$0x3] =	sbarrier.arrive $0xFFFF  }
0x3d8: {  	_ =	shalt  }

</sc_bundles>
